<compile_context>
chip_gen: v7x
topology: tpu7x:2x2x1
jax: 0.10.2.dev20260603
libtpu: 0.0.44.dev20260713+nightly
codegen_flags: <defaults>
</compile_context>

<pallas_src>
import jax
import jax.numpy as jnp
from jax import lax
from jax.experimental import pallas as pl
from jax.experimental.pallas import tpu as pltpu
from jax.experimental.pallas import tpu_sc as plsc

N = 10000
E = 320000
F = 128
NC = 2
NS = 16
L = 16
NPAD = 10240
HALF = NPAD // NC
SLICE = HALF // NS
NT = E // F
TPW = 157


def _sc_body(x_hbm, edges_hbm, out_hbm,
             idx_v, tbl_v, shared, acc_v, scale_v, xbuf, sem_e, sem_e2,
             sem_x):
    c = lax.axis_index("c")
    s = lax.axis_index("s")
    node0 = jnp.minimum(c * HALF + s * SLICE, N - SLICE)

    t0 = jnp.minimum(s * TPW, NT - TPW)
    ec0 = pltpu.async_copy(edges_hbm.at[pl.ds(t0, TPW // 2), 1],
                           idx_v.at[pl.ds(0, TPW // 2)], sem_e)
    ec1 = pltpu.async_copy(edges_hbm.at[pl.ds(t0 + TPW // 2, TPW - TPW // 2), 1],
                           idx_v.at[pl.ds(TPW // 2, TPW - TPW // 2)], sem_e2)
    xcopy = pltpu.async_copy(x_hbm.at[pl.ds(node0, SLICE)], xbuf, sem_x)
    zeros16 = jnp.zeros((L,), jnp.float32)

    @plsc.parallel_loop(0, NPAD // L, unroll=8)
    def _(i):
        tbl_v[pl.ds(i * L, L)] = zeros16

    ones16 = jnp.ones((L,), jnp.float32)

    def scat_body(i):
        for k in range(F // L):
            plsc.store_scatter(tbl_v, [idx_v[i, pl.ds(k * L, L)]], ones16)

    ec0.wait()
    plsc.parallel_loop(0, TPW // 2, unroll=8)(scat_body)
    ec1.wait()
    plsc.parallel_loop(TPW // 2, TPW, unroll=8)(scat_body)

    pltpu.sync_copy(tbl_v.at[pl.ds(c * HALF, HALF)], shared.at[s])
    plsc.subcore_barrier()
    pltpu.sync_copy(shared.at[:, pl.ds(node0 - c * HALF, SLICE)], acc_v)

    @plsc.parallel_loop(0, SLICE // L, unroll=4)
    def _(j):
        acc = acc_v[0, pl.ds(j * L, L)]
        for t in range(1, NS):
            acc = acc + acc_v[t, pl.ds(j * L, L)]
        scale_v[pl.ds(j * L, L)] = jnp.where(acc > 0.0, 1.0, 0.5)

    xcopy.wait()

    def group_body(g, _):
        sc16 = scale_v[pl.ds(g * L, L)]
        any_scaled = jnp.max((sc16 < 1.0).astype(jnp.int32))

        @pl.when(any_scaled > 0)
        def _():
            def row_body(r, _):
                row = g * L + r
                sc = plsc.load_gather(scale_v,
                                      [jnp.full((L,), row, jnp.int32)])
                for k in range(F // L):
                    xbuf[row, pl.ds(k * L, L)] = (
                        xbuf[row, pl.ds(k * L, L)] * sc)
                return 0

            lax.fori_loop(0, L, row_body, 0)
        return 0

    chunk = SLICE // 4
    out_copies = []
    for q in range(4):
        lax.fori_loop(q * (chunk // L), (q + 1) * (chunk // L), group_body, 0)
        out_copies.append(pltpu.async_copy(
            xbuf.at[pl.ds(q * chunk, chunk)],
            out_hbm.at[pl.ds(node0 + q * chunk, chunk)], sem_x))
    for cp in out_copies:
        cp.wait()


_sc_gat = pl.kernel(
    _sc_body,
    out_type=jax.ShapeDtypeStruct((N, F), jnp.float32),
    mesh=plsc.VectorSubcoreMesh(core_axis_name="c", subcore_axis_name="s",
                                num_cores=NC, num_subcores=NS),
    scratch_types=[
        pltpu.VMEM((TPW, F), jnp.int32),
        pltpu.VMEM((NPAD,), jnp.float32),
        pltpu.VMEM_SHARED((NS, HALF), jnp.float32),
        pltpu.VMEM((NS, SLICE), jnp.float32),
        pltpu.VMEM((SLICE,), jnp.float32),
        pltpu.VMEM((SLICE, F), jnp.float32),
        pltpu.SemaphoreType.DMA,
        pltpu.SemaphoreType.DMA,
        pltpu.SemaphoreType.DMA,
    ],
    compiler_params=pltpu.CompilerParams(needs_layout_passes=False,
                                         use_tc_tiling_on_sc=False),
)


@jax.jit
def kernel(x, edge_index, W_w, W_b, a1_w, a1_b, a2_w, a2_b):
    ei = jnp.transpose(edge_index.reshape(2, NT, F), (1, 0, 2))
    return _sc_gat(x, ei)

# --- scband reference (transcript-rebuilt; emitter-appended) ---
"""Pipeline reference for scband-gatlayer-25202868093548 (READ-ONLY COPY).

The authoritative reference and input builder live on the scoring server;
editing this copy changes nothing except your own understanding.
"""

import jax, jax.numpy as jnp
import numpy as np

N = 10000
E = 320000
IN_DIM = 128
OUT_DIM = 128
NUM_HEADS = 128


def setup_inputs(seed: int = 0):
    key = jax.random.key(seed)
    k = jax.random.split(key, 6)
    x = jax.random.normal(k[0], (N, IN_DIM), dtype=jnp.float32)
    edge_index = jax.random.randint(k[1], (2, E), 0, N)
    W_w = jax.random.normal(k[2], (OUT_DIM * NUM_HEADS, IN_DIM), dtype=jnp.float32) / np.sqrt(IN_DIM)
    W_b = jnp.zeros((OUT_DIM * NUM_HEADS,), dtype=jnp.float32)
    a1_w = jax.random.normal(k[3], (1, OUT_DIM), dtype=jnp.float32) / np.sqrt(OUT_DIM)
    a1_b = jnp.zeros((1,), dtype=jnp.float32)
    a2_w = jax.random.normal(k[4], (1, OUT_DIM), dtype=jnp.float32) / np.sqrt(OUT_DIM)
    a2_b = jnp.zeros((1,), dtype=jnp.float32)
    return {"x": x, "edge_index": edge_index, "W_w": W_w, "W_b": W_b,
            "a1_w": a1_w, "a1_b": a1_b, "a2_w": a2_w, "a2_b": a2_b}


def _segment_softmax(a_e, dst, n):
    # softmax over incoming edges (mailbox dim) per destination node
    m = jax.ops.segment_max(a_e, dst, num_segments=n)
    m = jnp.where(jnp.isfinite(m), m, 0.0)
    ex = jnp.exp(a_e - m[dst])
    den = jax.ops.segment_sum(ex, dst, num_segments=n)
    den = jnp.where(den > 0.0, den, 1.0)
    return ex / den[dst]


def reference(x, edge_index, W_w, W_b, a1_w, a1_b, a2_w, a2_b):
    src = edge_index[0]
    dst = edge_index[1]
    # message_func: Bh = W(src_h).view(-1, out_dim, num_heads); a1/a2 = Linear(out_dim,1) on last dim
    # (requires num_heads == out_dim). Computed per node then gathered per edge --
    # mathematically identical to applying it per-edge on src features.
    W3 = W_w.reshape(OUT_DIM, NUM_HEADS, IN_DIM)
    b1 = W_b.reshape(OUT_DIM, NUM_HEADS) @ a1_w[0] + a1_b[0]
    b2 = W_b.reshape(OUT_DIM, NUM_HEADS) @ a2_w[0] + a2_b[0]
    a1 = jax.nn.leaky_relu(jnp.einsum('ni,ohi,h->no', x, W3, a1_w[0]) + b1, 0.2)
    a2 = jax.nn.leaky_relu(jnp.einsum('ni,ohi,h->no', x, W3, a2_w[0]) + b2, 0.2)
    a1_e = a1[src]
    a2_e = a2[src]
    alpha1 = _segment_softmax(a1_e, dst, N)
    alpha2 = _segment_softmax(a2_e, dst, N)  # computed but unused, as in original reduce_func
    # reduce_func: h = (Ah1 * nodes.data['h']).sum(mailbox_dim)
    msg = alpha1 * x[dst]
    h_red = jax.ops.segment_sum(msg, dst, num_segments=N)
    # F.dropout in eval mode = identity; residual mix with residual_dropout=0.5
    h = h_red * (1.0 - 0.5) + x * 0.5
    # forward: h = h*(1-attn_dropout) + h*attn_dropout
    h = h * (1.0 - 0.5) + h * 0.5
    return h

if __name__ == "__main__":
    import jax
    _d = setup_inputs()
    print(jax.jit(kernel)(*tuple(_d.values())))

</pallas_src>

<mosaic_0001>
#map = affine_map<(d0, d1) -> (0, 0)>
#map1 = affine_map<(d0, d1) -> (0, 0, 0)>
module attributes {stable_mosaic.version = 14 : i64} {
  func.func @_sc_body(%arg0: i32, %arg1: i32, %arg2: memref<10000x128xf32, #tpu.memory_space<hbm>>, %arg3: memref<2500x2x128xi32, #tpu.memory_space<hbm>>, %arg4: memref<10000x128xf32, #tpu.memory_space<hbm>>, %arg5: memref<157x128xi32, #tpu.memory_space<vmem>>, %arg6: memref<10240xf32, #tpu.memory_space<vmem>>, %arg7: memref<16x5120xf32, #tpu.memory_space<vmem_shared>>, %arg8: memref<16x320xf32, #tpu.memory_space<vmem>>, %arg9: memref<320xf32, #tpu.memory_space<vmem>>, %arg10: memref<320x128xf32, #tpu.memory_space<vmem>>, %arg11: memref<!tpu.dma_semaphore, #tpu.memory_space<semaphore_mem>>, %arg12: memref<!tpu.dma_semaphore, #tpu.memory_space<semaphore_mem>>, %arg13: memref<!tpu.dma_semaphore, #tpu.memory_space<semaphore_mem>>) attributes {dimension_semantics = [#tpu.dimension_semantics<core_parallel>, #tpu.dimension_semantics<subcore_parallel>], iteration_bounds = array<i64: 2, 16>, scalar_prefetch = 0 : i64, scratch_operands = 9 : i64, tpu.core_type = #tpu.core_type<sc_vector_subcore>, window_params = [{transform_indices = #map}, {transform_indices = #map1}, {transform_indices = #map}]} {
    %mul3A = arith.constant 5120 : i32
    %mul3A_0 = arith.muli %arg0, %mul3A : i32
    %mul3A_1 = arith.constant 320 : i32
    %mul3A_2 = arith.muli %arg1, %mul3A_1 : i32
    %add3A = arith.addi %mul3A_0, %mul3A_2 : i32
    %min3A = arith.constant 9680 : i32
    %min3A_3 = arith.minsi %add3A, %min3A : i32
    %mul3A_4 = arith.constant 157 : i32
    %mul3A_5 = arith.muli %arg1, %mul3A_4 : i32
    %min3A_6 = arith.constant 2343 : i32
    %min3A_7 = arith.minsi %mul3A_5, %min3A_6 : i32
    %dma_start3A = arith.constant 1 : i32
    %dma_start3A_8 = arith.constant 0 : i32
    %dma_start3A_9 = arith.constant 0 : i32
    %dma_start3A_10 = tpu.memref_slice %arg5[%dma_start3A_8, %dma_start3A_9] : memref<157x128xi32, #tpu.memory_space<vmem>> -> memref<78x128xi32, #tpu.memory_space<vmem>>
    %dma_start3A_11 = arith.constant 0 : i32
    %dma_start3A_12 = tpu.memref_slice %arg3[%min3A_7, %dma_start3A, %dma_start3A_11] : memref<2500x2x128xi32, #tpu.memory_space<hbm>> -> memref<78x1x128xi32, #tpu.memory_space<hbm>>
    %dma_start3A_13 = tpu.memref_squeeze %dma_start3A_12 : memref<78x1x128xi32, #tpu.memory_space<hbm>> -> memref<78x128xi32, #tpu.memory_space<hbm>>
    %dma_start3A_14 = arith.constant 0 : i32
    %dma_start3A_15 = arith.constant 0 : i32
    %dma_start3A_16 = tpu.memref_slice %arg5[%dma_start3A_14, %dma_start3A_15] : memref<157x128xi32, #tpu.memory_space<vmem>> -> memref<78x128xi32, #tpu.memory_space<vmem>>
    %dma_start3A_17 = arith.constant 0 : i32
    %dma_start3A_18 = tpu.memref_slice %arg3[%min3A_7, %dma_start3A, %dma_start3A_17] : memref<2500x2x128xi32, #tpu.memory_space<hbm>> -> memref<78x1x128xi32, #tpu.memory_space<hbm>>
    %dma_start3A_19 = tpu.memref_squeeze %dma_start3A_18 : memref<78x1x128xi32, #tpu.memory_space<hbm>> -> memref<78x128xi32, #tpu.memory_space<hbm>>
    tpu.enqueue_dma source(%dma_start3A_19 : memref<78x128xi32, #tpu.memory_space<hbm>>) target(%dma_start3A_16 : memref<78x128xi32, #tpu.memory_space<vmem>>) target_semaphore(%arg11 : memref<!tpu.dma_semaphore, #tpu.memory_space<semaphore_mem>>)
    %add3A_20 = arith.constant 78 : i32
    %add3A_21 = arith.addi %min3A_7, %add3A_20 : i32
    %dma_start3A_22 = arith.constant 1 : i32
    %dma_start3A_23 = arith.constant 78 : i32
    %dma_start3A_24 = arith.constant 0 : i32
    %dma_start3A_25 = tpu.memref_slice %arg5[%dma_start3A_23, %dma_start3A_24] : memref<157x128xi32, #tpu.memory_space<vmem>> -> memref<79x128xi32, #tpu.memory_space<vmem>>
    %dma_start3A_26 = arith.constant 0 : i32
    %dma_start3A_27 = tpu.memref_slice %arg3[%add3A_21, %dma_start3A_22, %dma_start3A_26] : memref<2500x2x128xi32, #tpu.memory_space<hbm>> -> memref<79x1x128xi32, #tpu.memory_space<hbm>>
    %dma_start3A_28 = tpu.memref_squeeze %dma_start3A_27 : memref<79x1x128xi32, #tpu.memory_space<hbm>> -> memref<79x128xi32, #tpu.memory_space<hbm>>
    %dma_start3A_29 = arith.constant 78 : i32
    %dma_start3A_30 = arith.constant 0 : i32
    %dma_start3A_31 = tpu.memref_slice %arg5[%dma_start3A_29, %dma_start3A_30] : memref<157x128xi32, #tpu.memory_space<vmem>> -> memref<79x128xi32, #tpu.memory_space<vmem>>
    %dma_start3A_32 = arith.constant 0 : i32
    %dma_start3A_33 = tpu.memref_slice %arg3[%add3A_21, %dma_start3A_22, %dma_start3A_32] : memref<2500x2x128xi32, #tpu.memory_space<hbm>> -> memref<79x1x128xi32, #tpu.memory_space<hbm>>
    %dma_start3A_34 = tpu.memref_squeeze %dma_start3A_33 : memref<79x1x128xi32, #tpu.memory_space<hbm>> -> memref<79x128xi32, #tpu.memory_space<hbm>>
    tpu.enqueue_dma source(%dma_start3A_34 : memref<79x128xi32, #tpu.memory_space<hbm>>) target(%dma_start3A_31 : memref<79x128xi32, #tpu.memory_space<vmem>>) target_semaphore(%arg12 : memref<!tpu.dma_semaphore, #tpu.memory_space<semaphore_mem>>)
    %dma_start3A_35 = arith.constant 0 : i32
    %dma_start3A_36 = tpu.memref_slice %arg2[%min3A_3, %dma_start3A_35] : memref<10000x128xf32, #tpu.memory_space<hbm>> -> memref<320x128xf32, #tpu.memory_space<hbm>>
    %dma_start3A_37 = arith.constant 0 : i32
    %dma_start3A_38 = tpu.memref_slice %arg2[%min3A_3, %dma_start3A_37] : memref<10000x128xf32, #tpu.memory_space<hbm>> -> memref<320x128xf32, #tpu.memory_space<hbm>>
    tpu.enqueue_dma source(%dma_start3A_38 : memref<320x128xf32, #tpu.memory_space<hbm>>) target(%arg10 : memref<320x128xf32, #tpu.memory_space<vmem>>) target_semaphore(%arg13 : memref<!tpu.dma_semaphore, #tpu.memory_space<semaphore_mem>>)
    %broadcast_in_dim3A = arith.constant 0.000000e+00 : f32
    %broadcast_in_dim3A_39 = vector.broadcast %broadcast_in_dim3A : f32 to vector<16xf32>
    %parallel_loop3A = arith.constant 0 : i32
    %parallel_loop3A_40 = arith.constant 640 : i32
    %parallel_loop3A_41 = arith.constant 1 : i32
    scf.for %parallel_loop3A_201 = %parallel_loop3A to %parallel_loop3A_40 step %parallel_loop3A_41  : i32 {
      %parallel_loop3A_202 = arith.constant 16 : i32
      %parallel_loop3A_203 = arith.muli %parallel_loop3A_201, %parallel_loop3A_202 : i32
      %parallel_loop3A_204 = arith.index_cast %parallel_loop3A_203 : i32 to index
      %parallel_loop3A_205 = tpu.vector_load %arg6[%parallel_loop3A_204] {strides = array<i32>} : memref<10240xf32, #tpu.memory_space<vmem>>, vector<16xf32>,
      tpu.vector_store %arg6[%parallel_loop3A_204], %broadcast_in_dim3A_39 {strides = array<i32>} : memref<10240xf32, #tpu.memory_space<vmem>>, vector<16xf32>,
    } {sc.loop_unroll_factor = 8 : i64, sc.parallel_access}
    %broadcast_in_dim3A_42 = arith.constant 1.000000e+00 : f32
    %broadcast_in_dim3A_43 = vector.broadcast %broadcast_in_dim3A_42 : f32 to vector<16xf32>
    %dma_wait3A = arith.constant 1 : i32
    %dma_wait3A_44 = arith.constant 0 : i32
    %dma_wait3A_45 = arith.constant 0 : i32
    %dma_wait3A_46 = tpu.memref_slice %arg5[%dma_wait3A_44, %dma_wait3A_45] : memref<157x128xi32, #tpu.memory_space<vmem>> -> memref<78x128xi32, #tpu.memory_space<vmem>>
    %dma_wait3A_47 = arith.constant 0 : i32
    %dma_wait3A_48 = tpu.memref_slice %arg3[%min3A_7, %dma_wait3A, %dma_wait3A_47] : memref<2500x2x128xi32, #tpu.memory_space<hbm>> -> memref<78x1x128xi32, #tpu.memory_space<hbm>>
    %dma_wait3A_49 = tpu.memref_squeeze %dma_wait3A_48 : memref<78x1x128xi32, #tpu.memory_space<hbm>> -> memref<78x128xi32, #tpu.memory_space<hbm>>
    %dma_wait3A_50 = arith.constant 0 : i32
    %dma_wait3A_51 = arith.constant 0 : i32
    %dma_wait3A_52 = tpu.memref_slice %arg5[%dma_wait3A_50, %dma_wait3A_51] : memref<157x128xi32, #tpu.memory_space<vmem>> -> memref<78x128xi32, #tpu.memory_space<vmem>>
    %dma_wait3A_53 = arith.constant 0 : i32
    %dma_wait3A_54 = tpu.memref_slice %arg3[%min3A_7, %dma_wait3A, %dma_wait3A_53] : memref<2500x2x128xi32, #tpu.memory_space<hbm>> -> memref<78x1x128xi32, #tpu.memory_space<hbm>>
    %dma_wait3A_55 = tpu.memref_squeeze %dma_wait3A_54 : memref<78x1x128xi32, #tpu.memory_space<hbm>> -> memref<78x128xi32, #tpu.memory_space<hbm>>
    tpu.wait_dma2 semaphore(%arg11 : memref<!tpu.dma_semaphore, #tpu.memory_space<semaphore_mem>>) src(%dma_wait3A_55 : memref<78x128xi32, #tpu.memory_space<hbm>>) dst(%dma_wait3A_52 : memref<78x128xi32, #tpu.memory_space<vmem>>)
    %parallel_loop3A_56 = arith.constant 0 : i32
    %parallel_loop3A_57 = arith.constant 78 : i32
    %parallel_loop3A_58 = arith.constant 1 : i32
    scf.for %parallel_loop3A_201 = %parallel_loop3A_56 to %parallel_loop3A_57 step %parallel_loop3A_58  : i32 {
      %parallel_loop3A_202 = arith.index_cast %parallel_loop3A_201 : i32 to index
      %parallel_loop3A_203 = arith.constant 0 : index
      %parallel_loop3A_204 = tpu.vector_load %arg5[%parallel_loop3A_202, %parallel_loop3A_203] {strides = array<i32>} : memref<157x128xi32, #tpu.memory_space<vmem>>, vector<16xi32>,
      tpu.vector_store_idx %arg6[%parallel_loop3A_204], %broadcast_in_dim3A_43 : memref<10240xf32, #tpu.memory_space<vmem>>[vector<16xi32>], vector<16xf32>,
      %parallel_loop3A_205 = arith.index_cast %parallel_loop3A_201 : i32 to index
      %parallel_loop3A_206 = arith.constant 16 : index
      %parallel_loop3A_207 = tpu.vector_load %arg5[%parallel_loop3A_205, %parallel_loop3A_206] {strides = array<i32>} : memref<157x128xi32, #tpu.memory_space<vmem>>, vector<16xi32>,
      tpu.vector_store_idx %arg6[%parallel_loop3A_207], %broadcast_in_dim3A_43 : memref<10240xf32, #tpu.memory_space<vmem>>[vector<16xi32>], vector<16xf32>,
      %parallel_loop3A_208 = arith.index_cast %parallel_loop3A_201 : i32 to index
      %parallel_loop3A_209 = arith.constant 32 : index
      %parallel_loop3A_210 = tpu.vector_load %arg5[%parallel_loop3A_208, %parallel_loop3A_209] {strides = array<i32>} : memref<157x128xi32, #tpu.memory_space<vmem>>, vector<16xi32>,
      tpu.vector_store_idx %arg6[%parallel_loop3A_210], %broadcast_in_dim3A_43 : memref<10240xf32, #tpu.memory_space<vmem>>[vector<16xi32>], vector<16xf32>,
      %parallel_loop3A_211 = arith.index_cast %parallel_loop3A_201 : i32 to index
      %parallel_loop3A_212 = arith.constant 48 : index
      %parallel_loop3A_213 = tpu.vector_load %arg5[%parallel_loop3A_211, %parallel_loop3A_212] {strides = array<i32>} : memref<157x128xi32, #tpu.memory_space<vmem>>, vector<16xi32>,
      tpu.vector_store_idx %arg6[%parallel_loop3A_213], %broadcast_in_dim3A_43 : memref<10240xf32, #tpu.memory_space<vmem>>[vector<16xi32>], vector<16xf32>,
      %parallel_loop3A_214 = arith.index_cast %parallel_loop3A_201 : i32 to index
      %parallel_loop3A_215 = arith.constant 64 : index
      %parallel_loop3A_216 = tpu.vector_load %arg5[%parallel_loop3A_214, %parallel_loop3A_215] {strides = array<i32>} : memref<157x128xi32, #tpu.memory_space<vmem>>, vector<16xi32>,
      tpu.vector_store_idx %arg6[%parallel_loop3A_216], %broadcast_in_dim3A_43 : memref<10240xf32, #tpu.memory_space<vmem>>[vector<16xi32>], vector<16xf32>,
      %parallel_loop3A_217 = arith.index_cast %parallel_loop3A_201 : i32 to index
      %parallel_loop3A_218 = arith.constant 80 : index
      %parallel_loop3A_219 = tpu.vector_load %arg5[%parallel_loop3A_217, %parallel_loop3A_218] {strides = array<i32>} : memref<157x128xi32, #tpu.memory_space<vmem>>, vector<16xi32>,
      tpu.vector_store_idx %arg6[%parallel_loop3A_219], %broadcast_in_dim3A_43 : memref<10240xf32, #tpu.memory_space<vmem>>[vector<16xi32>], vector<16xf32>,
      %parallel_loop3A_220 = arith.index_cast %parallel_loop3A_201 : i32 to index
      %parallel_loop3A_221 = arith.constant 96 : index
      %parallel_loop3A_222 = tpu.vector_load %arg5[%parallel_loop3A_220, %parallel_loop3A_221] {strides = array<i32>} : memref<157x128xi32, #tpu.memory_space<vmem>>, vector<16xi32>,
      tpu.vector_store_idx %arg6[%parallel_loop3A_222], %broadcast_in_dim3A_43 : memref<10240xf32, #tpu.memory_space<vmem>>[vector<16xi32>], vector<16xf32>,
      %parallel_loop3A_223 = arith.index_cast %parallel_loop3A_201 : i32 to index
      %parallel_loop3A_224 = arith.constant 112 : index
      %parallel_loop3A_225 = tpu.vector_load %arg5[%parallel_loop3A_223, %parallel_loop3A_224] {strides = array<i32>} : memref<157x128xi32, #tpu.memory_space<vmem>>, vector<16xi32>,
      tpu.vector_store_idx %arg6[%parallel_loop3A_225], %broadcast_in_dim3A_43 : memref<10240xf32, #tpu.memory_space<vmem>>[vector<16xi32>], vector<16xf32>,
    } {sc.loop_unroll_factor = 8 : i64, sc.parallel_access}
    %dma_wait3A_59 = arith.constant 1 : i32
    %dma_wait3A_60 = arith.constant 78 : i32
    %dma_wait3A_61 = arith.constant 0 : i32
    %dma_wait3A_62 = tpu.memref_slice %arg5[%dma_wait3A_60, %dma_wait3A_61] : memref<157x128xi32, #tpu.memory_space<vmem>> -> memref<79x128xi32, #tpu.memory_space<vmem>>
    %dma_wait3A_63 = arith.constant 0 : i32
    %dma_wait3A_64 = tpu.memref_slice %arg3[%add3A_21, %dma_wait3A_59, %dma_wait3A_63] : memref<2500x2x128xi32, #tpu.memory_space<hbm>> -> memref<79x1x128xi32, #tpu.memory_space<hbm>>
    %dma_wait3A_65 = tpu.memref_squeeze %dma_wait3A_64 : memref<79x1x128xi32, #tpu.memory_space<hbm>> -> memref<79x128xi32, #tpu.memory_space<hbm>>
    %dma_wait3A_66 = arith.constant 78 : i32
    %dma_wait3A_67 = arith.constant 0 : i32
    %dma_wait3A_68 = tpu.memref_slice %arg5[%dma_wait3A_66, %dma_wait3A_67] : memref<157x128xi32, #tpu.memory_space<vmem>> -> memref<79x128xi32, #tpu.memory_space<vmem>>
    %dma_wait3A_69 = arith.constant 0 : i32
    %dma_wait3A_70 = tpu.memref_slice %arg3[%add3A_21, %dma_wait3A_59, %dma_wait3A_69] : memref<2500x2x128xi32, #tpu.memory_space<hbm>> -> memref<79x1x128xi32, #tpu.memory_space<hbm>>
    %dma_wait3A_71 = tpu.memref_squeeze %dma_wait3A_70 : memref<79x1x128xi32, #tpu.memory_space<hbm>> -> memref<79x128xi32, #tpu.memory_space<hbm>>
    tpu.wait_dma2 semaphore(%arg12 : memref<!tpu.dma_semaphore, #tpu.memory_space<semaphore_mem>>) src(%dma_wait3A_71 : memref<79x128xi32, #tpu.memory_space<hbm>>) dst(%dma_wait3A_68 : memref<79x128xi32, #tpu.memory_space<vmem>>)
    %parallel_loop3A_72 = arith.constant 78 : i32
    %parallel_loop3A_73 = arith.constant 157 : i32
    %parallel_loop3A_74 = arith.constant 1 : i32
    scf.for %parallel_loop3A_201 = %parallel_loop3A_72 to %parallel_loop3A_73 step %parallel_loop3A_74  : i32 {
      %parallel_loop3A_202 = arith.index_cast %parallel_loop3A_201 : i32 to index
      %parallel_loop3A_203 = arith.constant 0 : index
      %parallel_loop3A_204 = tpu.vector_load %arg5[%parallel_loop3A_202, %parallel_loop3A_203] {strides = array<i32>} : memref<157x128xi32, #tpu.memory_space<vmem>>, vector<16xi32>,
      tpu.vector_store_idx %arg6[%parallel_loop3A_204], %broadcast_in_dim3A_43 : memref<10240xf32, #tpu.memory_space<vmem>>[vector<16xi32>], vector<16xf32>,
      %parallel_loop3A_205 = arith.index_cast %parallel_loop3A_201 : i32 to index
      %parallel_loop3A_206 = arith.constant 16 : index
      %parallel_loop3A_207 = tpu.vector_load %arg5[%parallel_loop3A_205, %parallel_loop3A_206] {strides = array<i32>} : memref<157x128xi32, #tpu.memory_space<vmem>>, vector<16xi32>,
      tpu.vector_store_idx %arg6[%parallel_loop3A_207], %broadcast_in_dim3A_43 : memref<10240xf32, #tpu.memory_space<vmem>>[vector<16xi32>], vector<16xf32>,
      %parallel_loop3A_208 = arith.index_cast %parallel_loop3A_201 : i32 to index
      %parallel_loop3A_209 = arith.constant 32 : index
      %parallel_loop3A_210 = tpu.vector_load %arg5[%parallel_loop3A_208, %parallel_loop3A_209] {strides = array<i32>} : memref<157x128xi32, #tpu.memory_space<vmem>>, vector<16xi32>,
      tpu.vector_store_idx %arg6[%parallel_loop3A_210], %broadcast_in_dim3A_43 : memref<10240xf32, #tpu.memory_space<vmem>>[vector<16xi32>], vector<16xf32>,
      %parallel_loop3A_211 = arith.index_cast %parallel_loop3A_201 : i32 to index
      %parallel_loop3A_212 = arith.constant 48 : index
      %parallel_loop3A_213 = tpu.vector_load %arg5[%parallel_loop3A_211, %parallel_loop3A_212] {strides = array<i32>} : memref<157x128xi32, #tpu.memory_space<vmem>>, vector<16xi32>,
      tpu.vector_store_idx %arg6[%parallel_loop3A_213], %broadcast_in_dim3A_43 : memref<10240xf32, #tpu.memory_space<vmem>>[vector<16xi32>], vector<16xf32>,
      %parallel_loop3A_214 = arith.index_cast %parallel_loop3A_201 : i32 to index
      %parallel_loop3A_215 = arith.constant 64 : index
      %parallel_loop3A_216 = tpu.vector_load %arg5[%parallel_loop3A_214, %parallel_loop3A_215] {strides = array<i32>} : memref<157x128xi32, #tpu.memory_space<vmem>>, vector<16xi32>,
      tpu.vector_store_idx %arg6[%parallel_loop3A_216], %broadcast_in_dim3A_43 : memref<10240xf32, #tpu.memory_space<vmem>>[vector<16xi32>], vector<16xf32>,
      %parallel_loop3A_217 = arith.index_cast %parallel_loop3A_201 : i32 to index
      %parallel_loop3A_218 = arith.constant 80 : index
      %parallel_loop3A_219 = tpu.vector_load %arg5[%parallel_loop3A_217, %parallel_loop3A_218] {strides = array<i32>} : memref<157x128xi32, #tpu.memory_space<vmem>>, vector<16xi32>,
      tpu.vector_store_idx %arg6[%parallel_loop3A_219], %broadcast_in_dim3A_43 : memref<10240xf32, #tpu.memory_space<vmem>>[vector<16xi32>], vector<16xf32>,
      %parallel_loop3A_220 = arith.index_cast %parallel_loop3A_201 : i32 to index
      %parallel_loop3A_221 = arith.constant 96 : index
      %parallel_loop3A_222 = tpu.vector_load %arg5[%parallel_loop3A_220, %parallel_loop3A_221] {strides = array<i32>} : memref<157x128xi32, #tpu.memory_space<vmem>>, vector<16xi32>,
      tpu.vector_store_idx %arg6[%parallel_loop3A_222], %broadcast_in_dim3A_43 : memref<10240xf32, #tpu.memory_space<vmem>>[vector<16xi32>], vector<16xf32>,
      %parallel_loop3A_223 = arith.index_cast %parallel_loop3A_201 : i32 to index
      %parallel_loop3A_224 = arith.constant 112 : index
      %parallel_loop3A_225 = tpu.vector_load %arg5[%parallel_loop3A_223, %parallel_loop3A_224] {strides = array<i32>} : memref<157x128xi32, #tpu.memory_space<vmem>>, vector<16xi32>,
      tpu.vector_store_idx %arg6[%parallel_loop3A_225], %broadcast_in_dim3A_43 : memref<10240xf32, #tpu.memory_space<vmem>>[vector<16xi32>], vector<16xf32>,
    } {sc.loop_unroll_factor = 8 : i64, sc.parallel_access}
    %mul3A_75 = arith.constant 5120 : i32
    %mul3A_76 = arith.muli %arg0, %mul3A_75 : i32
    "tpu.region"() ({
      %run_scoped3A = tpu.sem_alloc : memref<!tpu.dma_semaphore, #tpu.memory_space<semaphore_mem>>
      %dma_start3A_201 = tpu.memref_slice %arg6[%mul3A_76] : memref<10240xf32, #tpu.memory_space<vmem>> -> memref<5120xf32, #tpu.memory_space<vmem>>
      %dma_start3A_202 = arith.constant 0 : i32
      %dma_start3A_203 = tpu.memref_slice %arg7[%arg1, %dma_start3A_202] : memref<16x5120xf32, #tpu.memory_space<vmem_shared>> -> memref<1x5120xf32, #tpu.memory_space<vmem_shared>>
      %dma_start3A_204 = tpu.memref_squeeze %dma_start3A_203 : memref<1x5120xf32, #tpu.memory_space<vmem_shared>> -> memref<5120xf32, #tpu.memory_space<vmem_shared>>
      %dma_start3A_205 = arith.constant 0 : i32
      %dma_start3A_206 = tpu.memref_slice %arg7[%arg1, %dma_start3A_205] : memref<16x5120xf32, #tpu.memory_space<vmem_shared>> -> memref<1x5120xf32, #tpu.memory_space<vmem_shared>>
      %dma_start3A_207 = tpu.memref_squeeze %dma_start3A_206 : memref<1x5120xf32, #tpu.memory_space<vmem_shared>> -> memref<5120xf32, #tpu.memory_space<vmem_shared>>
      %dma_start3A_208 = tpu.memref_slice %arg6[%mul3A_76] : memref<10240xf32, #tpu.memory_space<vmem>> -> memref<5120xf32, #tpu.memory_space<vmem>>
      tpu.enqueue_dma source(%dma_start3A_208 : memref<5120xf32, #tpu.memory_space<vmem>>) target(%dma_start3A_207 : memref<5120xf32, #tpu.memory_space<vmem_shared>>) target_semaphore(%run_scoped3A : memref<!tpu.dma_semaphore, #tpu.memory_space<semaphore_mem>>)
      %dma_wait3A_209 = tpu.memref_slice %arg6[%mul3A_76] : memref<10240xf32, #tpu.memory_space<vmem>> -> memref<5120xf32, #tpu.memory_space<vmem>>
      %dma_wait3A_210 = arith.constant 0 : i32
      %dma_wait3A_211 = tpu.memref_slice %arg7[%arg1, %dma_wait3A_210] : memref<16x5120xf32, #tpu.memory_space<vmem_shared>> -> memref<1x5120xf32, #tpu.memory_space<vmem_shared>>
      %dma_wait3A_212 = tpu.memref_squeeze %dma_wait3A_211 : memref<1x5120xf32, #tpu.memory_space<vmem_shared>> -> memref<5120xf32, #tpu.memory_space<vmem_shared>>
      %dma_wait3A_213 = arith.constant 0 : i32
      %dma_wait3A_214 = tpu.memref_slice %arg7[%arg1, %dma_wait3A_213] : memref<16x5120xf32, #tpu.memory_space<vmem_shared>> -> memref<1x5120xf32, #tpu.memory_space<vmem_shared>>
      %dma_wait3A_215 = tpu.memref_squeeze %dma_wait3A_214 : memref<1x5120xf32, #tpu.memory_space<vmem_shared>> -> memref<5120xf32, #tpu.memory_space<vmem_shared>>
      %dma_wait3A_216 = tpu.memref_slice %arg6[%mul3A_76] : memref<10240xf32, #tpu.memory_space<vmem>> -> memref<5120xf32, #tpu.memory_space<vmem>>
      tpu.wait_dma2 semaphore(%run_scoped3A : memref<!tpu.dma_semaphore, #tpu.memory_space<semaphore_mem>>) src(%dma_wait3A_216 : memref<5120xf32, #tpu.memory_space<vmem>>) dst(%dma_wait3A_215 : memref<5120xf32, #tpu.memory_space<vmem_shared>>)
      tpu.yield
    }) : () -> ()
    %barrier3A = arith.constant 0 : index
    tpu.barrier barrier_id(%barrier3A)
    %mul3A_77 = arith.constant 5120 : i32
    %mul3A_78 = arith.muli %arg0, %mul3A_77 : i32
    %sub3A = arith.subi %min3A_3, %mul3A_78 : i32
    "tpu.region"() ({
      %run_scoped3A = tpu.sem_alloc : memref<!tpu.dma_semaphore, #tpu.memory_space<semaphore_mem>>
      %dma_start3A_201 = arith.constant 0 : i32
      %dma_start3A_202 = tpu.memref_slice %arg7[%dma_start3A_201, %sub3A] : memref<16x5120xf32, #tpu.memory_space<vmem_shared>> -> memref<16x320xf32, #tpu.memory_space<vmem_shared>>
      %dma_start3A_203 = arith.constant 0 : i32
      %dma_start3A_204 = tpu.memref_slice %arg7[%dma_start3A_203, %sub3A] : memref<16x5120xf32, #tpu.memory_space<vmem_shared>> -> memref<16x320xf32, #tpu.memory_space<vmem_shared>>
      tpu.enqueue_dma source(%dma_start3A_204 : memref<16x320xf32, #tpu.memory_space<vmem_shared>>) target(%arg8 : memref<16x320xf32, #tpu.memory_space<vmem>>) target_semaphore(%run_scoped3A : memref<!tpu.dma_semaphore, #tpu.memory_space<semaphore_mem>>)
      %dma_wait3A_205 = arith.constant 0 : i32
      %dma_wait3A_206 = tpu.memref_slice %arg7[%dma_wait3A_205, %sub3A] : memref<16x5120xf32, #tpu.memory_space<vmem_shared>> -> memref<16x320xf32, #tpu.memory_space<vmem_shared>>
      %dma_wait3A_207 = arith.constant 0 : i32
      %dma_wait3A_208 = tpu.memref_slice %arg7[%dma_wait3A_207, %sub3A] : memref<16x5120xf32, #tpu.memory_space<vmem_shared>> -> memref<16x320xf32, #tpu.memory_space<vmem_shared>>
      tpu.wait_dma2 semaphore(%run_scoped3A : memref<!tpu.dma_semaphore, #tpu.memory_space<semaphore_mem>>) src(%dma_wait3A_208 : memref<16x320xf32, #tpu.memory_space<vmem_shared>>) dst(%arg8 : memref<16x320xf32, #tpu.memory_space<vmem>>)
      tpu.yield
    }) : () -> ()
    %parallel_loop3A_79 = arith.constant 0 : i32
    %parallel_loop3A_80 = arith.constant 20 : i32
    %parallel_loop3A_81 = arith.constant 1 : i32
    scf.for %parallel_loop3A_201 = %parallel_loop3A_79 to %parallel_loop3A_80 step %parallel_loop3A_81  : i32 {
      %parallel_loop3A_202 = arith.constant 16 : i32
      %parallel_loop3A_203 = arith.muli %parallel_loop3A_201, %parallel_loop3A_202 : i32
      %parallel_loop3A_204 = arith.constant 0 : i32
      %parallel_loop3A_205 = arith.index_cast %parallel_loop3A_204 : i32 to index
      %parallel_loop3A_206 = arith.index_cast %parallel_loop3A_203 : i32 to index
      %parallel_loop3A_207 = tpu.vector_load %arg8[%parallel_loop3A_205, %parallel_loop3A_206] {strides = array<i32>} : memref<16x320xf32, #tpu.memory_space<vmem>>, vector<16xf32>,
      %parallel_loop3A_208 = arith.constant 16 : i32
      %parallel_loop3A_209 = arith.muli %parallel_loop3A_201, %parallel_loop3A_208 : i32
      %parallel_loop3A_210 = arith.constant 1 : i32
      %parallel_loop3A_211 = arith.index_cast %parallel_loop3A_210 : i32 to index
      %parallel_loop3A_212 = arith.index_cast %parallel_loop3A_209 : i32 to index
      %parallel_loop3A_213 = tpu.vector_load %arg8[%parallel_loop3A_211, %parallel_loop3A_212] {strides = array<i32>} : memref<16x320xf32, #tpu.memory_space<vmem>>, vector<16xf32>,
      %parallel_loop3A_214 = arith.addf %parallel_loop3A_207, %parallel_loop3A_213 : vector<16xf32>
      %parallel_loop3A_215 = arith.constant 16 : i32
      %parallel_loop3A_216 = arith.muli %parallel_loop3A_201, %parallel_loop3A_215 : i32
      %parallel_loop3A_217 = arith.constant 2 : i32
      %parallel_loop3A_218 = arith.index_cast %parallel_loop3A_217 : i32 to index
      %parallel_loop3A_219 = arith.index_cast %parallel_loop3A_216 : i32 to index
      %parallel_loop3A_220 = tpu.vector_load %arg8[%parallel_loop3A_218, %parallel_loop3A_219] {strides = array<i32>} : memref<16x320xf32, #tpu.memory_space<vmem>>, vector<16xf32>,
      %parallel_loop3A_221 = arith.addf %parallel_loop3A_214, %parallel_loop3A_220 : vector<16xf32>
      %parallel_loop3A_222 = arith.constant 16 : i32
      %parallel_loop3A_223 = arith.muli %parallel_loop3A_201, %parallel_loop3A_222 : i32
      %parallel_loop3A_224 = arith.constant 3 : i32
      %parallel_loop3A_225 = arith.index_cast %parallel_loop3A_224 : i32 to index
      %parallel_loop3A_226 = arith.index_cast %parallel_loop3A_223 : i32 to index
      %parallel_loop3A_227 = tpu.vector_load %arg8[%parallel_loop3A_225, %parallel_loop3A_226] {strides = array<i32>} : memref<16x320xf32, #tpu.memory_space<vmem>>, vector<16xf32>,
      %parallel_loop3A_228 = arith.addf %parallel_loop3A_221, %parallel_loop3A_227 : vector<16xf32>
      %parallel_loop3A_229 = arith.constant 16 : i32
      %parallel_loop3A_230 = arith.muli %parallel_loop3A_201, %parallel_loop3A_229 : i32
      %parallel_loop3A_231 = arith.constant 4 : i32
      %parallel_loop3A_232 = arith.index_cast %parallel_loop3A_231 : i32 to index
      %parallel_loop3A_233 = arith.index_cast %parallel_loop3A_230 : i32 to index
      %parallel_loop3A_234 = tpu.vector_load %arg8[%parallel_loop3A_232, %parallel_loop3A_233] {strides = array<i32>} : memref<16x320xf32, #tpu.memory_space<vmem>>, vector<16xf32>,
      %parallel_loop3A_235 = arith.addf %parallel_loop3A_228, %parallel_loop3A_234 : vector<16xf32>
      %parallel_loop3A_236 = arith.constant 16 : i32
      %parallel_loop3A_237 = arith.muli %parallel_loop3A_201, %parallel_loop3A_236 : i32
      %parallel_loop3A_238 = arith.constant 5 : i32
      %parallel_loop3A_239 = arith.index_cast %parallel_loop3A_238 : i32 to index
      %parallel_loop3A_240 = arith.index_cast %parallel_loop3A_237 : i32 to index
      %parallel_loop3A_241 = tpu.vector_load %arg8[%parallel_loop3A_239, %parallel_loop3A_240] {strides = array<i32>} : memref<16x320xf32, #tpu.memory_space<vmem>>, vector<16xf32>,
      %parallel_loop3A_242 = arith.addf %parallel_loop3A_235, %parallel_loop3A_241 : vector<16xf32>
      %parallel_loop3A_243 = arith.constant 16 : i32
      %parallel_loop3A_244 = arith.muli %parallel_loop3A_201, %parallel_loop3A_243 : i32
      %parallel_loop3A_245 = arith.constant 6 : i32
      %parallel_loop3A_246 = arith.index_cast %parallel_loop3A_245 : i32 to index
      %parallel_loop3A_247 = arith.index_cast %parallel_loop3A_244 : i32 to index
      %parallel_loop3A_248 = tpu.vector_load %arg8[%parallel_loop3A_246, %parallel_loop3A_247] {strides = array<i32>} : memref<16x320xf32, #tpu.memory_space<vmem>>, vector<16xf32>,
      %parallel_loop3A_249 = arith.addf %parallel_loop3A_242, %parallel_loop3A_248 : vector<16xf32>
      %parallel_loop3A_250 = arith.constant 16 : i32
      %parallel_loop3A_251 = arith.muli %parallel_loop3A_201, %parallel_loop3A_250 : i32
      %parallel_loop3A_252 = arith.constant 7 : i32
      %parallel_loop3A_253 = arith.index_cast %parallel_loop3A_252 : i32 to index
      %parallel_loop3A_254 = arith.index_cast %parallel_loop3A_251 : i32 to index
      %parallel_loop3A_255 = tpu.vector_load %arg8[%parallel_loop3A_253, %parallel_loop3A_254] {strides = array<i32>} : memref<16x320xf32, #tpu.memory_space<vmem>>, vector<16xf32>,
      %parallel_loop3A_256 = arith.addf %parallel_loop3A_249, %parallel_loop3A_255 : vector<16xf32>
      %parallel_loop3A_257 = arith.constant 16 : i32
      %parallel_loop3A_258 = arith.muli %parallel_loop3A_201, %parallel_loop3A_257 : i32
      %parallel_loop3A_259 = arith.constant 8 : i32
      %parallel_loop3A_260 = arith.index_cast %parallel_loop3A_259 : i32 to index
      %parallel_loop3A_261 = arith.index_cast %parallel_loop3A_258 : i32 to index
      %parallel_loop3A_262 = tpu.vector_load %arg8[%parallel_loop3A_260, %parallel_loop3A_261] {strides = array<i32>} : memref<16x320xf32, #tpu.memory_space<vmem>>, vector<16xf32>,
      %parallel_loop3A_263 = arith.addf %parallel_loop3A_256, %parallel_loop3A_262 : vector<16xf32>
      %parallel_loop3A_264 = arith.constant 16 : i32
      %parallel_loop3A_265 = arith.muli %parallel_loop3A_201, %parallel_loop3A_264 : i32
      %parallel_loop3A_266 = arith.constant 9 : i32
      %parallel_loop3A_267 = arith.index_cast %parallel_loop3A_266 : i32 to index
      %parallel_loop3A_268 = arith.index_cast %parallel_loop3A_265 : i32 to index
      %parallel_loop3A_269 = tpu.vector_load %arg8[%parallel_loop3A_267, %parallel_loop3A_268] {strides = array<i32>} : memref<16x320xf32, #tpu.memory_space<vmem>>, vector<16xf32>,
      %parallel_loop3A_270 = arith.addf %parallel_loop3A_263, %parallel_loop3A_269 : vector<16xf32>
      %parallel_loop3A_271 = arith.constant 16 : i32
      %parallel_loop3A_272 = arith.muli %parallel_loop3A_201, %parallel_loop3A_271 : i32
      %parallel_loop3A_273 = arith.constant 10 : i32
      %parallel_loop3A_274 = arith.index_cast %parallel_loop3A_273 : i32 to index
      %parallel_loop3A_275 = arith.index_cast %parallel_loop3A_272 : i32 to index
      %parallel_loop3A_276 = tpu.vector_load %arg8[%parallel_loop3A_274, %parallel_loop3A_275] {strides = array<i32>} : memref<16x320xf32, #tpu.memory_space<vmem>>, vector<16xf32>,
      %parallel_loop3A_277 = arith.addf %parallel_loop3A_270, %parallel_loop3A_276 : vector<16xf32>
      %parallel_loop3A_278 = arith.constant 16 : i32
      %parallel_loop3A_279 = arith.muli %parallel_loop3A_201, %parallel_loop3A_278 : i32
      %parallel_loop3A_280 = arith.constant 11 : i32
      %parallel_loop3A_281 = arith.index_cast %parallel_loop3A_280 : i32 to index
      %parallel_loop3A_282 = arith.index_cast %parallel_loop3A_279 : i32 to index
      %parallel_loop3A_283 = tpu.vector_load %arg8[%parallel_loop3A_281, %parallel_loop3A_282] {strides = array<i32>} : memref<16x320xf32, #tpu.memory_space<vmem>>, vector<16xf32>,
      %parallel_loop3A_284 = arith.addf %parallel_loop3A_277, %parallel_loop3A_283 : vector<16xf32>
      %parallel_loop3A_285 = arith.constant 16 : i32
      %parallel_loop3A_286 = arith.muli %parallel_loop3A_201, %parallel_loop3A_285 : i32
      %parallel_loop3A_287 = arith.constant 12 : i32
      %parallel_loop3A_288 = arith.index_cast %parallel_loop3A_287 : i32 to index
      %parallel_loop3A_289 = arith.index_cast %parallel_loop3A_286 : i32 to index
      %parallel_loop3A_290 = tpu.vector_load %arg8[%parallel_loop3A_288, %parallel_loop3A_289] {strides = array<i32>} : memref<16x320xf32, #tpu.memory_space<vmem>>, vector<16xf32>,
      %parallel_loop3A_291 = arith.addf %parallel_loop3A_284, %parallel_loop3A_290 : vector<16xf32>
      %parallel_loop3A_292 = arith.constant 16 : i32
      %parallel_loop3A_293 = arith.muli %parallel_loop3A_201, %parallel_loop3A_292 : i32
      %parallel_loop3A_294 = arith.constant 13 : i32
      %parallel_loop3A_295 = arith.index_cast %parallel_loop3A_294 : i32 to index
      %parallel_loop3A_296 = arith.index_cast %parallel_loop3A_293 : i32 to index
      %parallel_loop3A_297 = tpu.vector_load %arg8[%parallel_loop3A_295, %parallel_loop3A_296] {strides = array<i32>} : memref<16x320xf32, #tpu.memory_space<vmem>>, vector<16xf32>,
      %parallel_loop3A_298 = arith.addf %parallel_loop3A_291, %parallel_loop3A_297 : vector<16xf32>
      %parallel_loop3A_299 = arith.constant 16 : i32
      %parallel_loop3A_300 = arith.muli %parallel_loop3A_201, %parallel_loop3A_299 : i32
      %parallel_loop3A_301 = arith.constant 14 : i32
      %parallel_loop3A_302 = arith.index_cast %parallel_loop3A_301 : i32 to index
      %parallel_loop3A_303 = arith.index_cast %parallel_loop3A_300 : i32 to index
      %parallel_loop3A_304 = tpu.vector_load %arg8[%parallel_loop3A_302, %parallel_loop3A_303] {strides = array<i32>} : memref<16x320xf32, #tpu.memory_space<vmem>>, vector<16xf32>,
      %parallel_loop3A_305 = arith.addf %parallel_loop3A_298, %parallel_loop3A_304 : vector<16xf32>
      %parallel_loop3A_306 = arith.constant 16 : i32
      %parallel_loop3A_307 = arith.muli %parallel_loop3A_201, %parallel_loop3A_306 : i32
      %parallel_loop3A_308 = arith.constant 15 : i32
      %parallel_loop3A_309 = arith.index_cast %parallel_loop3A_308 : i32 to index
      %parallel_loop3A_310 = arith.index_cast %parallel_loop3A_307 : i32 to index
      %parallel_loop3A_311 = tpu.vector_load %arg8[%parallel_loop3A_309, %parallel_loop3A_310] {strides = array<i32>} : memref<16x320xf32, #tpu.memory_space<vmem>>, vector<16xf32>,
      %parallel_loop3A_312 = arith.addf %parallel_loop3A_305, %parallel_loop3A_311 : vector<16xf32>
      %parallel_loop3A_313 = arith.constant 0.000000e+00 : f32
      %parallel_loop3A_314 = vector.broadcast %parallel_loop3A_313 : f32 to vector<16xf32>
      %parallel_loop3A_315 = arith.cmpf ogt, %parallel_loop3A_312, %parallel_loop3A_314 : vector<16xf32>
      %parallel_loop3A_316 = arith.constant 1.000000e+00 : f32
      %parallel_loop3A_317 = arith.constant 5.000000e-01 : f32
      %parallel_loop3A_318 = vector.broadcast %parallel_loop3A_316 : f32 to vector<16xf32>
      %parallel_loop3A_319 = vector.broadcast %parallel_loop3A_317 : f32 to vector<16xf32>
      %parallel_loop3A_320 = arith.select %parallel_loop3A_315, %parallel_loop3A_318, %parallel_loop3A_319 : vector<16xi1>, vector<16xf32>
      %parallel_loop3A_321 = arith.constant 16 : i32
      %parallel_loop3A_322 = arith.muli %parallel_loop3A_201, %parallel_loop3A_321 : i32
      %parallel_loop3A_323 = arith.index_cast %parallel_loop3A_322 : i32 to index
      %parallel_loop3A_324 = tpu.vector_load %arg9[%parallel_loop3A_323] {strides = array<i32>} : memref<320xf32, #tpu.memory_space<vmem>>, vector<16xf32>,
      tpu.vector_store %arg9[%parallel_loop3A_323], %parallel_loop3A_320 {strides = array<i32>} : memref<320xf32, #tpu.memory_space<vmem>>, vector<16xf32>,
    } {sc.loop_unroll_factor = 4 : i64, sc.parallel_access}
    %dma_wait3A_82 = arith.constant 0 : i32
    %dma_wait3A_83 = tpu.memref_slice %arg2[%min3A_3, %dma_wait3A_82] : memref<10000x128xf32, #tpu.memory_space<hbm>> -> memref<320x128xf32, #tpu.memory_space<hbm>>
    %dma_wait3A_84 = arith.constant 0 : i32
    %dma_wait3A_85 = tpu.memref_slice %arg2[%min3A_3, %dma_wait3A_84] : memref<10000x128xf32, #tpu.memory_space<hbm>> -> memref<320x128xf32, #tpu.memory_space<hbm>>
    tpu.wait_dma2 semaphore(%arg13 : memref<!tpu.dma_semaphore, #tpu.memory_space<semaphore_mem>>) src(%dma_wait3A_85 : memref<320x128xf32, #tpu.memory_space<hbm>>) dst(%arg10 : memref<320x128xf32, #tpu.memory_space<vmem>>)
    %scan3A = arith.constant 0 : i32
    %scan3A_86 = arith.constant 0 : i32
    %scan3A_87 = arith.constant 5 : i32
    %scan3A_88 = arith.addi %scan3A_86, %scan3A_87 : i32
    %scan3A_89 = arith.constant 1 : i32
    %scan3A_90 = scf.for %scan3A_201 = %scan3A_86 to %scan3A_88 step %scan3A_89 iter_args(%scan3A_202 = %scan3A) -> (i32)  : i32 {
      %mul3A_203 = arith.constant 16 : i32
      %mul3A_204 = arith.muli %scan3A_201, %mul3A_203 : i32
      %get3A = arith.index_cast %mul3A_204 : i32 to index
      %get3A_205 = tpu.vector_load %arg9[%get3A] {strides = array<i32>} : memref<320xf32, #tpu.memory_space<vmem>>, vector<16xf32>,
      %lt3A = arith.constant 1.000000e+00 : f32
      %lt3A_206 = vector.broadcast %lt3A : f32 to vector<16xf32>
      %lt3A_207 = arith.cmpf olt, %get3A_205, %lt3A_206 : vector<16xf32>
      %convert_element_type3A = arith.extui %lt3A_207 : vector<16xi1> to vector<16xi32>
      %reduce_max3A = arith.constant true
      %reduce_max3A_208 = vector.broadcast %reduce_max3A : i1 to vector<16xi1>
      %reduce_max3A_209 = arith.constant -2147483648 : i32
      %reduce_max3A_210 = vector.broadcast %reduce_max3A_209 : i32 to vector<16xi32>
      %reduce_max3A_211 = arith.xori %convert_element_type3A, %reduce_max3A_210 : vector<16xi32>
      %reduce_max3A_212 = tpu.scan <max>, %reduce_max3A_211 masked %reduce_max3A_208 : vector<16xi32>, vector<16xi1> -> vector<16xi32>
      %reduce_max3A_213 = arith.xori %reduce_max3A_212, %reduce_max3A_210 : vector<16xi32>
      %reduce_max3A_214 = vector.extract %reduce_max3A_213[15] : i32 from vector<16xi32>
      %gt3A = arith.constant 0 : i32
      %gt3A_215 = arith.cmpi sgt, %reduce_max3A_214, %gt3A : i32
      %convert_element_type3A_216 = arith.extui %gt3A_215 : i1 to i32
      %cond3A = arith.constant 0 : i32
      %cond3A_217 = arith.cmpi ne, %convert_element_type3A_216, %cond3A : i32
      scf.if %cond3A_217 {
        %scan3A_219 = arith.constant 0 : i32
        %scan3A_220 = arith.constant 0 : i32
        %scan3A_221 = arith.constant 16 : i32
        %scan3A_222 = arith.addi %scan3A_220, %scan3A_221 : i32
        %scan3A_223 = arith.constant 1 : i32
        %scan3A_224 = scf.for %scan3A_226 = %scan3A_220 to %scan3A_222 step %scan3A_223 iter_args(%scan3A_227 = %scan3A_219) -> (i32)  : i32 {
          %mul3A_228 = arith.constant 16 : i32
          %mul3A_229 = arith.muli %scan3A_201, %mul3A_228 : i32
          %add3A_230 = arith.addi %mul3A_229, %scan3A_226 : i32
          %broadcast_in_dim3A_231 = vector.broadcast %add3A_230 : i32 to vector<16xi32>
          %gather3A = tpu.vector_load_idx %arg9[%broadcast_in_dim3A_231] : memref<320xf32, #tpu.memory_space<vmem>>[vector<16xi32>], vector<16xf32>,
          %get3A_232 = arith.index_cast %add3A_230 : i32 to index
          %get3A_233 = arith.constant 0 : index
          %get3A_234 = tpu.vector_load %arg10[%get3A_232, %get3A_233] {strides = array<i32>} : memref<320x128xf32, #tpu.memory_space<vmem>>, vector<16xf32>,
          %mul3A_235 = arith.mulf %get3A_234, %gather3A : vector<16xf32>
          %swap3A = arith.index_cast %add3A_230 : i32 to index
          %swap3A_236 = arith.constant 0 : index
          %swap3A_237 = tpu.vector_load %arg10[%swap3A, %swap3A_236] {strides = array<i32>} : memref<320x128xf32, #tpu.memory_space<vmem>>, vector<16xf32>,
          tpu.vector_store %arg10[%swap3A, %swap3A_236], %mul3A_235 {strides = array<i32>} : memref<320x128xf32, #tpu.memory_space<vmem>>, vector<16xf32>,
          %get3A_238 = arith.index_cast %add3A_230 : i32 to index
          %get3A_239 = arith.constant 16 : index
          %get3A_240 = tpu.vector_load %arg10[%get3A_238, %get3A_239] {strides = array<i32>} : memref<320x128xf32, #tpu.memory_space<vmem>>, vector<16xf32>,
          %mul3A_241 = arith.mulf %get3A_240, %gather3A : vector<16xf32>
          %swap3A_242 = arith.index_cast %add3A_230 : i32 to index
          %swap3A_243 = arith.constant 16 : index
          %swap3A_244 = tpu.vector_load %arg10[%swap3A_242, %swap3A_243] {strides = array<i32>} : memref<320x128xf32, #tpu.memory_space<vmem>>, vector<16xf32>,
          tpu.vector_store %arg10[%swap3A_242, %swap3A_243], %mul3A_241 {strides = array<i32>} : memref<320x128xf32, #tpu.memory_space<vmem>>, vector<16xf32>,
          %get3A_245 = arith.index_cast %add3A_230 : i32 to index
          %get3A_246 = arith.constant 32 : index
          %get3A_247 = tpu.vector_load %arg10[%get3A_245, %get3A_246] {strides = array<i32>} : memref<320x128xf32, #tpu.memory_space<vmem>>, vector<16xf32>,
          %mul3A_248 = arith.mulf %get3A_247, %gather3A : vector<16xf32>
          %swap3A_249 = arith.index_cast %add3A_230 : i32 to index
          %swap3A_250 = arith.constant 32 : index
          %swap3A_251 = tpu.vector_load %arg10[%swap3A_249, %swap3A_250] {strides = array<i32>} : memref<320x128xf32, #tpu.memory_space<vmem>>, vector<16xf32>,
          tpu.vector_store %arg10[%swap3A_249, %swap3A_250], %mul3A_248 {strides = array<i32>} : memref<320x128xf32, #tpu.memory_space<vmem>>, vector<16xf32>,
          %get3A_252 = arith.index_cast %add3A_230 : i32 to index
          %get3A_253 = arith.constant 48 : index
          %get3A_254 = tpu.vector_load %arg10[%get3A_252, %get3A_253] {strides = array<i32>} : memref<320x128xf32, #tpu.memory_space<vmem>>, vector<16xf32>,
          %mul3A_255 = arith.mulf %get3A_254, %gather3A : vector<16xf32>
          %swap3A_256 = arith.index_cast %add3A_230 : i32 to index
          %swap3A_257 = arith.constant 48 : index
          %swap3A_258 = tpu.vector_load %arg10[%swap3A_256, %swap3A_257] {strides = array<i32>} : memref<320x128xf32, #tpu.memory_space<vmem>>, vector<16xf32>,
          tpu.vector_store %arg10[%swap3A_256, %swap3A_257], %mul3A_255 {strides = array<i32>} : memref<320x128xf32, #tpu.memory_space<vmem>>, vector<16xf32>,
          %get3A_259 = arith.index_cast %add3A_230 : i32 to index
          %get3A_260 = arith.constant 64 : index
          %get3A_261 = tpu.vector_load %arg10[%get3A_259, %get3A_260] {strides = array<i32>} : memref<320x128xf32, #tpu.memory_space<vmem>>, vector<16xf32>,
          %mul3A_262 = arith.mulf %get3A_261, %gather3A : vector<16xf32>
          %swap3A_263 = arith.index_cast %add3A_230 : i32 to index
          %swap3A_264 = arith.constant 64 : index
          %swap3A_265 = tpu.vector_load %arg10[%swap3A_263, %swap3A_264] {strides = array<i32>} : memref<320x128xf32, #tpu.memory_space<vmem>>, vector<16xf32>,
          tpu.vector_store %arg10[%swap3A_263, %swap3A_264], %mul3A_262 {strides = array<i32>} : memref<320x128xf32, #tpu.memory_space<vmem>>, vector<16xf32>,
          %get3A_266 = arith.index_cast %add3A_230 : i32 to index
          %get3A_267 = arith.constant 80 : index
          %get3A_268 = tpu.vector_load %arg10[%get3A_266, %get3A_267] {strides = array<i32>} : memref<320x128xf32, #tpu.memory_space<vmem>>, vector<16xf32>,
          %mul3A_269 = arith.mulf %get3A_268, %gather3A : vector<16xf32>
          %swap3A_270 = arith.index_cast %add3A_230 : i32 to index
          %swap3A_271 = arith.constant 80 : index
          %swap3A_272 = tpu.vector_load %arg10[%swap3A_270, %swap3A_271] {strides = array<i32>} : memref<320x128xf32, #tpu.memory_space<vmem>>, vector<16xf32>,
          tpu.vector_store %arg10[%swap3A_270, %swap3A_271], %mul3A_269 {strides = array<i32>} : memref<320x128xf32, #tpu.memory_space<vmem>>, vector<16xf32>,
          %get3A_273 = arith.index_cast %add3A_230 : i32 to index
          %get3A_274 = arith.constant 96 : index
          %get3A_275 = tpu.vector_load %arg10[%get3A_273, %get3A_274] {strides = array<i32>} : memref<320x128xf32, #tpu.memory_space<vmem>>, vector<16xf32>,
          %mul3A_276 = arith.mulf %get3A_275, %gather3A : vector<16xf32>
          %swap3A_277 = arith.index_cast %add3A_230 : i32 to index
          %swap3A_278 = arith.constant 96 : index
          %swap3A_279 = tpu.vector_load %arg10[%swap3A_277, %swap3A_278] {strides = array<i32>} : memref<320x128xf32, #tpu.memory_space<vmem>>, vector<16xf32>,
          tpu.vector_store %arg10[%swap3A_277, %swap3A_278], %mul3A_276 {strides = array<i32>} : memref<320x128xf32, #tpu.memory_space<vmem>>, vector<16xf32>,
          %get3A_280 = arith.index_cast %add3A_230 : i32 to index
          %get3A_281 = arith.constant 112 : index
          %get3A_282 = tpu.vector_load %arg10[%get3A_280, %get3A_281] {strides = array<i32>} : memref<320x128xf32, #tpu.memory_space<vmem>>, vector<16xf32>,
          %mul3A_283 = arith.mulf %get3A_282, %gather3A : vector<16xf32>
          %swap3A_284 = arith.index_cast %add3A_230 : i32 to index
          %swap3A_285 = arith.constant 112 : index
          %swap3A_286 = tpu.vector_load %arg10[%swap3A_284, %swap3A_285] {strides = array<i32>} : memref<320x128xf32, #tpu.memory_space<vmem>>, vector<16xf32>,
          tpu.vector_store %arg10[%swap3A_284, %swap3A_285], %mul3A_283 {strides = array<i32>} : memref<320x128xf32, #tpu.memory_space<vmem>>, vector<16xf32>,
          %scan3A_287 = arith.constant 0 : i32
          scf.yield %scan3A_287 : i32
        }
        %scan3A_225 = arith.constant 16 : i32
      } else {
      }
      %scan3A_218 = arith.constant 0 : i32
      scf.yield %scan3A_218 : i32
    }
    %scan3A_91 = arith.constant 5 : i32
    %add3A_92 = arith.constant 0 : i32
    %add3A_93 = arith.addi %min3A_3, %add3A_92 : i32
    %dma_start3A_94 = arith.constant 0 : i32
    %dma_start3A_95 = arith.constant 0 : i32
    %dma_start3A_96 = tpu.memref_slice %arg10[%dma_start3A_94, %dma_start3A_95] : memref<320x128xf32, #tpu.memory_space<vmem>> -> memref<80x128xf32, #tpu.memory_space<vmem>>
    %dma_start3A_97 = arith.constant 0 : i32
    %dma_start3A_98 = tpu.memref_slice %arg4[%add3A_93, %dma_start3A_97] : memref<10000x128xf32, #tpu.memory_space<hbm>> -> memref<80x128xf32, #tpu.memory_space<hbm>>
    %dma_start3A_99 = arith.constant 0 : i32
    %dma_start3A_100 = tpu.memref_slice %arg4[%add3A_93, %dma_start3A_99] : memref<10000x128xf32, #tpu.memory_space<hbm>> -> memref<80x128xf32, #tpu.memory_space<hbm>>
    %dma_start3A_101 = arith.constant 0 : i32
    %dma_start3A_102 = arith.constant 0 : i32
    %dma_start3A_103 = tpu.memref_slice %arg10[%dma_start3A_101, %dma_start3A_102] : memref<320x128xf32, #tpu.memory_space<vmem>> -> memref<80x128xf32, #tpu.memory_space<vmem>>
    tpu.enqueue_dma source(%dma_start3A_103 : memref<80x128xf32, #tpu.memory_space<vmem>>) target(%dma_start3A_100 : memref<80x128xf32, #tpu.memory_space<hbm>>) target_semaphore(%arg13 : memref<!tpu.dma_semaphore, #tpu.memory_space<semaphore_mem>>)
    %scan3A_104 = arith.constant 0 : i32
    %scan3A_105 = arith.constant 5 : i32
    %scan3A_106 = arith.constant 5 : i32
    %scan3A_107 = arith.addi %scan3A_105, %scan3A_106 : i32
    %scan3A_108 = arith.constant 1 : i32
    %scan3A_109 = scf.for %scan3A_201 = %scan3A_105 to %scan3A_107 step %scan3A_108 iter_args(%scan3A_202 = %scan3A_104) -> (i32)  : i32 {
      %mul3A_203 = arith.constant 16 : i32
      %mul3A_204 = arith.muli %scan3A_201, %mul3A_203 : i32
      %get3A = arith.index_cast %mul3A_204 : i32 to index
      %get3A_205 = tpu.vector_load %arg9[%get3A] {strides = array<i32>} : memref<320xf32, #tpu.memory_space<vmem>>, vector<16xf32>,
      %lt3A = arith.constant 1.000000e+00 : f32
      %lt3A_206 = vector.broadcast %lt3A : f32 to vector<16xf32>
      %lt3A_207 = arith.cmpf olt, %get3A_205, %lt3A_206 : vector<16xf32>
      %convert_element_type3A = arith.extui %lt3A_207 : vector<16xi1> to vector<16xi32>
      %reduce_max3A = arith.constant true
      %reduce_max3A_208 = vector.broadcast %reduce_max3A : i1 to vector<16xi1>
      %reduce_max3A_209 = arith.constant -2147483648 : i32
      %reduce_max3A_210 = vector.broadcast %reduce_max3A_209 : i32 to vector<16xi32>
      %reduce_max3A_211 = arith.xori %convert_element_type3A, %reduce_max3A_210 : vector<16xi32>
      %reduce_max3A_212 = tpu.scan <max>, %reduce_max3A_211 masked %reduce_max3A_208 : vector<16xi32>, vector<16xi1> -> vector<16xi32>
      %reduce_max3A_213 = arith.xori %reduce_max3A_212, %reduce_max3A_210 : vector<16xi32>
      %reduce_max3A_214 = vector.extract %reduce_max3A_213[15] : i32 from vector<16xi32>
      %gt3A = arith.constant 0 : i32
      %gt3A_215 = arith.cmpi sgt, %reduce_max3A_214, %gt3A : i32
      %convert_element_type3A_216 = arith.extui %gt3A_215 : i1 to i32
      %cond3A = arith.constant 0 : i32
      %cond3A_217 = arith.cmpi ne, %convert_element_type3A_216, %cond3A : i32
      scf.if %cond3A_217 {
        %scan3A_219 = arith.constant 0 : i32
        %scan3A_220 = arith.constant 0 : i32
        %scan3A_221 = arith.constant 16 : i32
        %scan3A_222 = arith.addi %scan3A_220, %scan3A_221 : i32
        %scan3A_223 = arith.constant 1 : i32
        %scan3A_224 = scf.for %scan3A_226 = %scan3A_220 to %scan3A_222 step %scan3A_223 iter_args(%scan3A_227 = %scan3A_219) -> (i32)  : i32 {
          %mul3A_228 = arith.constant 16 : i32
          %mul3A_229 = arith.muli %scan3A_201, %mul3A_228 : i32
          %add3A_230 = arith.addi %mul3A_229, %scan3A_226 : i32
          %broadcast_in_dim3A_231 = vector.broadcast %add3A_230 : i32 to vector<16xi32>
          %gather3A = tpu.vector_load_idx %arg9[%broadcast_in_dim3A_231] : memref<320xf32, #tpu.memory_space<vmem>>[vector<16xi32>], vector<16xf32>,
          %get3A_232 = arith.index_cast %add3A_230 : i32 to index
          %get3A_233 = arith.constant 0 : index
          %get3A_234 = tpu.vector_load %arg10[%get3A_232, %get3A_233] {strides = array<i32>} : memref<320x128xf32, #tpu.memory_space<vmem>>, vector<16xf32>,
          %mul3A_235 = arith.mulf %get3A_234, %gather3A : vector<16xf32>
          %swap3A = arith.index_cast %add3A_230 : i32 to index
          %swap3A_236 = arith.constant 0 : index
          %swap3A_237 = tpu.vector_load %arg10[%swap3A, %swap3A_236] {strides = array<i32>} : memref<320x128xf32, #tpu.memory_space<vmem>>, vector<16xf32>,
          tpu.vector_store %arg10[%swap3A, %swap3A_236], %mul3A_235 {strides = array<i32>} : memref<320x128xf32, #tpu.memory_space<vmem>>, vector<16xf32>,
          %get3A_238 = arith.index_cast %add3A_230 : i32 to index
          %get3A_239 = arith.constant 16 : index
          %get3A_240 = tpu.vector_load %arg10[%get3A_238, %get3A_239] {strides = array<i32>} : memref<320x128xf32, #tpu.memory_space<vmem>>, vector<16xf32>,
          %mul3A_241 = arith.mulf %get3A_240, %gather3A : vector<16xf32>
          %swap3A_242 = arith.index_cast %add3A_230 : i32 to index
          %swap3A_243 = arith.constant 16 : index
          %swap3A_244 = tpu.vector_load %arg10[%swap3A_242, %swap3A_243] {strides = array<i32>} : memref<320x128xf32, #tpu.memory_space<vmem>>, vector<16xf32>,
          tpu.vector_store %arg10[%swap3A_242, %swap3A_243], %mul3A_241 {strides = array<i32>} : memref<320x128xf32, #tpu.memory_space<vmem>>, vector<16xf32>,
          %get3A_245 = arith.index_cast %add3A_230 : i32 to index
          %get3A_246 = arith.constant 32 : index
          %get3A_247 = tpu.vector_load %arg10[%get3A_245, %get3A_246] {strides = array<i32>} : memref<320x128xf32, #tpu.memory_space<vmem>>, vector<16xf32>,
          %mul3A_248 = arith.mulf %get3A_247, %gather3A : vector<16xf32>
          %swap3A_249 = arith.index_cast %add3A_230 : i32 to index
          %swap3A_250 = arith.constant 32 : index
          %swap3A_251 = tpu.vector_load %arg10[%swap3A_249, %swap3A_250] {strides = array<i32>} : memref<320x128xf32, #tpu.memory_space<vmem>>, vector<16xf32>,
          tpu.vector_store %arg10[%swap3A_249, %swap3A_250], %mul3A_248 {strides = array<i32>} : memref<320x128xf32, #tpu.memory_space<vmem>>, vector<16xf32>,
          %get3A_252 = arith.index_cast %add3A_230 : i32 to index
          %get3A_253 = arith.constant 48 : index
          %get3A_254 = tpu.vector_load %arg10[%get3A_252, %get3A_253] {strides = array<i32>} : memref<320x128xf32, #tpu.memory_space<vmem>>, vector<16xf32>,
          %mul3A_255 = arith.mulf %get3A_254, %gather3A : vector<16xf32>
          %swap3A_256 = arith.index_cast %add3A_230 : i32 to index
          %swap3A_257 = arith.constant 48 : index
          %swap3A_258 = tpu.vector_load %arg10[%swap3A_256, %swap3A_257] {strides = array<i32>} : memref<320x128xf32, #tpu.memory_space<vmem>>, vector<16xf32>,
          tpu.vector_store %arg10[%swap3A_256, %swap3A_257], %mul3A_255 {strides = array<i32>} : memref<320x128xf32, #tpu.memory_space<vmem>>, vector<16xf32>,
          %get3A_259 = arith.index_cast %add3A_230 : i32 to index
          %get3A_260 = arith.constant 64 : index
          %get3A_261 = tpu.vector_load %arg10[%get3A_259, %get3A_260] {strides = array<i32>} : memref<320x128xf32, #tpu.memory_space<vmem>>, vector<16xf32>,
          %mul3A_262 = arith.mulf %get3A_261, %gather3A : vector<16xf32>
          %swap3A_263 = arith.index_cast %add3A_230 : i32 to index
          %swap3A_264 = arith.constant 64 : index
          %swap3A_265 = tpu.vector_load %arg10[%swap3A_263, %swap3A_264] {strides = array<i32>} : memref<320x128xf32, #tpu.memory_space<vmem>>, vector<16xf32>,
          tpu.vector_store %arg10[%swap3A_263, %swap3A_264], %mul3A_262 {strides = array<i32>} : memref<320x128xf32, #tpu.memory_space<vmem>>, vector<16xf32>,
          %get3A_266 = arith.index_cast %add3A_230 : i32 to index
          %get3A_267 = arith.constant 80 : index
          %get3A_268 = tpu.vector_load %arg10[%get3A_266, %get3A_267] {strides = array<i32>} : memref<320x128xf32, #tpu.memory_space<vmem>>, vector<16xf32>,
          %mul3A_269 = arith.mulf %get3A_268, %gather3A : vector<16xf32>
          %swap3A_270 = arith.index_cast %add3A_230 : i32 to index
          %swap3A_271 = arith.constant 80 : index
          %swap3A_272 = tpu.vector_load %arg10[%swap3A_270, %swap3A_271] {strides = array<i32>} : memref<320x128xf32, #tpu.memory_space<vmem>>, vector<16xf32>,
          tpu.vector_store %arg10[%swap3A_270, %swap3A_271], %mul3A_269 {strides = array<i32>} : memref<320x128xf32, #tpu.memory_space<vmem>>, vector<16xf32>,
          %get3A_273 = arith.index_cast %add3A_230 : i32 to index
          %get3A_274 = arith.constant 96 : index
          %get3A_275 = tpu.vector_load %arg10[%get3A_273, %get3A_274] {strides = array<i32>} : memref<320x128xf32, #tpu.memory_space<vmem>>, vector<16xf32>,
          %mul3A_276 = arith.mulf %get3A_275, %gather3A : vector<16xf32>
          %swap3A_277 = arith.index_cast %add3A_230 : i32 to index
          %swap3A_278 = arith.constant 96 : index
          %swap3A_279 = tpu.vector_load %arg10[%swap3A_277, %swap3A_278] {strides = array<i32>} : memref<320x128xf32, #tpu.memory_space<vmem>>, vector<16xf32>,
          tpu.vector_store %arg10[%swap3A_277, %swap3A_278], %mul3A_276 {strides = array<i32>} : memref<320x128xf32, #tpu.memory_space<vmem>>, vector<16xf32>,
          %get3A_280 = arith.index_cast %add3A_230 : i32 to index
          %get3A_281 = arith.constant 112 : index
          %get3A_282 = tpu.vector_load %arg10[%get3A_280, %get3A_281] {strides = array<i32>} : memref<320x128xf32, #tpu.memory_space<vmem>>, vector<16xf32>,
          %mul3A_283 = arith.mulf %get3A_282, %gather3A : vector<16xf32>
          %swap3A_284 = arith.index_cast %add3A_230 : i32 to index
          %swap3A_285 = arith.constant 112 : index
          %swap3A_286 = tpu.vector_load %arg10[%swap3A_284, %swap3A_285] {strides = array<i32>} : memref<320x128xf32, #tpu.memory_space<vmem>>, vector<16xf32>,
          tpu.vector_store %arg10[%swap3A_284, %swap3A_285], %mul3A_283 {strides = array<i32>} : memref<320x128xf32, #tpu.memory_space<vmem>>, vector<16xf32>,
          %scan3A_287 = arith.constant 0 : i32
          scf.yield %scan3A_287 : i32
        }
        %scan3A_225 = arith.constant 16 : i32
      } else {
      }
      %scan3A_218 = arith.constant 0 : i32
      scf.yield %scan3A_218 : i32
    }
    %scan3A_110 = arith.constant 5 : i32
    %add3A_111 = arith.constant 80 : i32
    %add3A_112 = arith.addi %min3A_3, %add3A_111 : i32
    %dma_start3A_113 = arith.constant 80 : i32
    %dma_start3A_114 = arith.constant 0 : i32
    %dma_start3A_115 = tpu.memref_slice %arg10[%dma_start3A_113, %dma_start3A_114] : memref<320x128xf32, #tpu.memory_space<vmem>> -> memref<80x128xf32, #tpu.memory_space<vmem>>
    %dma_start3A_116 = arith.constant 0 : i32
    %dma_start3A_117 = tpu.memref_slice %arg4[%add3A_112, %dma_start3A_116] : memref<10000x128xf32, #tpu.memory_space<hbm>> -> memref<80x128xf32, #tpu.memory_space<hbm>>
    %dma_start3A_118 = arith.constant 0 : i32
    %dma_start3A_119 = tpu.memref_slice %arg4[%add3A_112, %dma_start3A_118] : memref<10000x128xf32, #tpu.memory_space<hbm>> -> memref<80x128xf32, #tpu.memory_space<hbm>>
    %dma_start3A_120 = arith.constant 80 : i32
    %dma_start3A_121 = arith.constant 0 : i32
    %dma_start3A_122 = tpu.memref_slice %arg10[%dma_start3A_120, %dma_start3A_121] : memref<320x128xf32, #tpu.memory_space<vmem>> -> memref<80x128xf32, #tpu.memory_space<vmem>>
    tpu.enqueue_dma source(%dma_start3A_122 : memref<80x128xf32, #tpu.memory_space<vmem>>) target(%dma_start3A_119 : memref<80x128xf32, #tpu.memory_space<hbm>>) target_semaphore(%arg13 : memref<!tpu.dma_semaphore, #tpu.memory_space<semaphore_mem>>)
    %scan3A_123 = arith.constant 0 : i32
    %scan3A_124 = arith.constant 10 : i32
    %scan3A_125 = arith.constant 5 : i32
    %scan3A_126 = arith.addi %scan3A_124, %scan3A_125 : i32
    %scan3A_127 = arith.constant 1 : i32
    %scan3A_128 = scf.for %scan3A_201 = %scan3A_124 to %scan3A_126 step %scan3A_127 iter_args(%scan3A_202 = %scan3A_123) -> (i32)  : i32 {
      %mul3A_203 = arith.constant 16 : i32
      %mul3A_204 = arith.muli %scan3A_201, %mul3A_203 : i32
      %get3A = arith.index_cast %mul3A_204 : i32 to index
      %get3A_205 = tpu.vector_load %arg9[%get3A] {strides = array<i32>} : memref<320xf32, #tpu.memory_space<vmem>>, vector<16xf32>,
      %lt3A = arith.constant 1.000000e+00 : f32
      %lt3A_206 = vector.broadcast %lt3A : f32 to vector<16xf32>
      %lt3A_207 = arith.cmpf olt, %get3A_205, %lt3A_206 : vector<16xf32>
      %convert_element_type3A = arith.extui %lt3A_207 : vector<16xi1> to vector<16xi32>
      %reduce_max3A = arith.constant true
      %reduce_max3A_208 = vector.broadcast %reduce_max3A : i1 to vector<16xi1>
      %reduce_max3A_209 = arith.constant -2147483648 : i32
      %reduce_max3A_210 = vector.broadcast %reduce_max3A_209 : i32 to vector<16xi32>
      %reduce_max3A_211 = arith.xori %convert_element_type3A, %reduce_max3A_210 : vector<16xi32>
      %reduce_max3A_212 = tpu.scan <max>, %reduce_max3A_211 masked %reduce_max3A_208 : vector<16xi32>, vector<16xi1> -> vector<16xi32>
      %reduce_max3A_213 = arith.xori %reduce_max3A_212, %reduce_max3A_210 : vector<16xi32>
      %reduce_max3A_214 = vector.extract %reduce_max3A_213[15] : i32 from vector<16xi32>
      %gt3A = arith.constant 0 : i32
      %gt3A_215 = arith.cmpi sgt, %reduce_max3A_214, %gt3A : i32
      %convert_element_type3A_216 = arith.extui %gt3A_215 : i1 to i32
      %cond3A = arith.constant 0 : i32
      %cond3A_217 = arith.cmpi ne, %convert_element_type3A_216, %cond3A : i32
      scf.if %cond3A_217 {
        %scan3A_219 = arith.constant 0 : i32
        %scan3A_220 = arith.constant 0 : i32
        %scan3A_221 = arith.constant 16 : i32
        %scan3A_222 = arith.addi %scan3A_220, %scan3A_221 : i32
        %scan3A_223 = arith.constant 1 : i32
        %scan3A_224 = scf.for %scan3A_226 = %scan3A_220 to %scan3A_222 step %scan3A_223 iter_args(%scan3A_227 = %scan3A_219) -> (i32)  : i32 {
          %mul3A_228 = arith.constant 16 : i32
          %mul3A_229 = arith.muli %scan3A_201, %mul3A_228 : i32
          %add3A_230 = arith.addi %mul3A_229, %scan3A_226 : i32
          %broadcast_in_dim3A_231 = vector.broadcast %add3A_230 : i32 to vector<16xi32>
          %gather3A = tpu.vector_load_idx %arg9[%broadcast_in_dim3A_231] : memref<320xf32, #tpu.memory_space<vmem>>[vector<16xi32>], vector<16xf32>,
          %get3A_232 = arith.index_cast %add3A_230 : i32 to index
          %get3A_233 = arith.constant 0 : index
          %get3A_234 = tpu.vector_load %arg10[%get3A_232, %get3A_233] {strides = array<i32>} : memref<320x128xf32, #tpu.memory_space<vmem>>, vector<16xf32>,
          %mul3A_235 = arith.mulf %get3A_234, %gather3A : vector<16xf32>
          %swap3A = arith.index_cast %add3A_230 : i32 to index
          %swap3A_236 = arith.constant 0 : index
          %swap3A_237 = tpu.vector_load %arg10[%swap3A, %swap3A_236] {strides = array<i32>} : memref<320x128xf32, #tpu.memory_space<vmem>>, vector<16xf32>,
          tpu.vector_store %arg10[%swap3A, %swap3A_236], %mul3A_235 {strides = array<i32>} : memref<320x128xf32, #tpu.memory_space<vmem>>, vector<16xf32>,
          %get3A_238 = arith.index_cast %add3A_230 : i32 to index
          %get3A_239 = arith.constant 16 : index
          %get3A_240 = tpu.vector_load %arg10[%get3A_238, %get3A_239] {strides = array<i32>} : memref<320x128xf32, #tpu.memory_space<vmem>>, vector<16xf32>,
          %mul3A_241 = arith.mulf %get3A_240, %gather3A : vector<16xf32>
          %swap3A_242 = arith.index_cast %add3A_230 : i32 to index
          %swap3A_243 = arith.constant 16 : index
          %swap3A_244 = tpu.vector_load %arg10[%swap3A_242, %swap3A_243] {strides = array<i32>} : memref<320x128xf32, #tpu.memory_space<vmem>>, vector<16xf32>,
          tpu.vector_store %arg10[%swap3A_242, %swap3A_243], %mul3A_241 {strides = array<i32>} : memref<320x128xf32, #tpu.memory_space<vmem>>, vector<16xf32>,
          %get3A_245 = arith.index_cast %add3A_230 : i32 to index
          %get3A_246 = arith.constant 32 : index
          %get3A_247 = tpu.vector_load %arg10[%get3A_245, %get3A_246] {strides = array<i32>} : memref<320x128xf32, #tpu.memory_space<vmem>>, vector<16xf32>,
          %mul3A_248 = arith.mulf %get3A_247, %gather3A : vector<16xf32>
          %swap3A_249 = arith.index_cast %add3A_230 : i32 to index
          %swap3A_250 = arith.constant 32 : index
          %swap3A_251 = tpu.vector_load %arg10[%swap3A_249, %swap3A_250] {strides = array<i32>} : memref<320x128xf32, #tpu.memory_space<vmem>>, vector<16xf32>,
          tpu.vector_store %arg10[%swap3A_249, %swap3A_250], %mul3A_248 {strides = array<i32>} : memref<320x128xf32, #tpu.memory_space<vmem>>, vector<16xf32>,
          %get3A_252 = arith.index_cast %add3A_230 : i32 to index
          %get3A_253 = arith.constant 48 : index
          %get3A_254 = tpu.vector_load %arg10[%get3A_252, %get3A_253] {strides = array<i32>} : memref<320x128xf32, #tpu.memory_space<vmem>>, vector<16xf32>,
          %mul3A_255 = arith.mulf %get3A_254, %gather3A : vector<16xf32>
          %swap3A_256 = arith.index_cast %add3A_230 : i32 to index
          %swap3A_257 = arith.constant 48 : index
          %swap3A_258 = tpu.vector_load %arg10[%swap3A_256, %swap3A_257] {strides = array<i32>} : memref<320x128xf32, #tpu.memory_space<vmem>>, vector<16xf32>,
          tpu.vector_store %arg10[%swap3A_256, %swap3A_257], %mul3A_255 {strides = array<i32>} : memref<320x128xf32, #tpu.memory_space<vmem>>, vector<16xf32>,
          %get3A_259 = arith.index_cast %add3A_230 : i32 to index
          %get3A_260 = arith.constant 64 : index
          %get3A_261 = tpu.vector_load %arg10[%get3A_259, %get3A_260] {strides = array<i32>} : memref<320x128xf32, #tpu.memory_space<vmem>>, vector<16xf32>,
          %mul3A_262 = arith.mulf %get3A_261, %gather3A : vector<16xf32>
          %swap3A_263 = arith.index_cast %add3A_230 : i32 to index
          %swap3A_264 = arith.constant 64 : index
          %swap3A_265 = tpu.vector_load %arg10[%swap3A_263, %swap3A_264] {strides = array<i32>} : memref<320x128xf32, #tpu.memory_space<vmem>>, vector<16xf32>,
          tpu.vector_store %arg10[%swap3A_263, %swap3A_264], %mul3A_262 {strides = array<i32>} : memref<320x128xf32, #tpu.memory_space<vmem>>, vector<16xf32>,
          %get3A_266 = arith.index_cast %add3A_230 : i32 to index
          %get3A_267 = arith.constant 80 : index
          %get3A_268 = tpu.vector_load %arg10[%get3A_266, %get3A_267] {strides = array<i32>} : memref<320x128xf32, #tpu.memory_space<vmem>>, vector<16xf32>,
          %mul3A_269 = arith.mulf %get3A_268, %gather3A : vector<16xf32>
          %swap3A_270 = arith.index_cast %add3A_230 : i32 to index
          %swap3A_271 = arith.constant 80 : index
          %swap3A_272 = tpu.vector_load %arg10[%swap3A_270, %swap3A_271] {strides = array<i32>} : memref<320x128xf32, #tpu.memory_space<vmem>>, vector<16xf32>,
          tpu.vector_store %arg10[%swap3A_270, %swap3A_271], %mul3A_269 {strides = array<i32>} : memref<320x128xf32, #tpu.memory_space<vmem>>, vector<16xf32>,
          %get3A_273 = arith.index_cast %add3A_230 : i32 to index
          %get3A_274 = arith.constant 96 : index
          %get3A_275 = tpu.vector_load %arg10[%get3A_273, %get3A_274] {strides = array<i32>} : memref<320x128xf32, #tpu.memory_space<vmem>>, vector<16xf32>,
          %mul3A_276 = arith.mulf %get3A_275, %gather3A : vector<16xf32>
          %swap3A_277 = arith.index_cast %add3A_230 : i32 to index
          %swap3A_278 = arith.constant 96 : index
          %swap3A_279 = tpu.vector_load %arg10[%swap3A_277, %swap3A_278] {strides = array<i32>} : memref<320x128xf32, #tpu.memory_space<vmem>>, vector<16xf32>,
          tpu.vector_store %arg10[%swap3A_277, %swap3A_278], %mul3A_276 {strides = array<i32>} : memref<320x128xf32, #tpu.memory_space<vmem>>, vector<16xf32>,
          %get3A_280 = arith.index_cast %add3A_230 : i32 to index
          %get3A_281 = arith.constant 112 : index
          %get3A_282 = tpu.vector_load %arg10[%get3A_280, %get3A_281] {strides = array<i32>} : memref<320x128xf32, #tpu.memory_space<vmem>>, vector<16xf32>,
          %mul3A_283 = arith.mulf %get3A_282, %gather3A : vector<16xf32>
          %swap3A_284 = arith.index_cast %add3A_230 : i32 to index
          %swap3A_285 = arith.constant 112 : index
          %swap3A_286 = tpu.vector_load %arg10[%swap3A_284, %swap3A_285] {strides = array<i32>} : memref<320x128xf32, #tpu.memory_space<vmem>>, vector<16xf32>,
          tpu.vector_store %arg10[%swap3A_284, %swap3A_285], %mul3A_283 {strides = array<i32>} : memref<320x128xf32, #tpu.memory_space<vmem>>, vector<16xf32>,
          %scan3A_287 = arith.constant 0 : i32
          scf.yield %scan3A_287 : i32
        }
        %scan3A_225 = arith.constant 16 : i32
      } else {
      }
      %scan3A_218 = arith.constant 0 : i32
      scf.yield %scan3A_218 : i32
    }
    %scan3A_129 = arith.constant 5 : i32
    %add3A_130 = arith.constant 160 : i32
    %add3A_131 = arith.addi %min3A_3, %add3A_130 : i32
    %dma_start3A_132 = arith.constant 160 : i32
    %dma_start3A_133 = arith.constant 0 : i32
    %dma_start3A_134 = tpu.memref_slice %arg10[%dma_start3A_132, %dma_start3A_133] : memref<320x128xf32, #tpu.memory_space<vmem>> -> memref<80x128xf32, #tpu.memory_space<vmem>>
    %dma_start3A_135 = arith.constant 0 : i32
    %dma_start3A_136 = tpu.memref_slice %arg4[%add3A_131, %dma_start3A_135] : memref<10000x128xf32, #tpu.memory_space<hbm>> -> memref<80x128xf32, #tpu.memory_space<hbm>>
    %dma_start3A_137 = arith.constant 0 : i32
    %dma_start3A_138 = tpu.memref_slice %arg4[%add3A_131, %dma_start3A_137] : memref<10000x128xf32, #tpu.memory_space<hbm>> -> memref<80x128xf32, #tpu.memory_space<hbm>>
    %dma_start3A_139 = arith.constant 160 : i32
    %dma_start3A_140 = arith.constant 0 : i32
    %dma_start3A_141 = tpu.memref_slice %arg10[%dma_start3A_139, %dma_start3A_140] : memref<320x128xf32, #tpu.memory_space<vmem>> -> memref<80x128xf32, #tpu.memory_space<vmem>>
    tpu.enqueue_dma source(%dma_start3A_141 : memref<80x128xf32, #tpu.memory_space<vmem>>) target(%dma_start3A_138 : memref<80x128xf32, #tpu.memory_space<hbm>>) target_semaphore(%arg13 : memref<!tpu.dma_semaphore, #tpu.memory_space<semaphore_mem>>)
    %scan3A_142 = arith.constant 0 : i32
    %scan3A_143 = arith.constant 15 : i32
    %scan3A_144 = arith.constant 5 : i32
    %scan3A_145 = arith.addi %scan3A_143, %scan3A_144 : i32
    %scan3A_146 = arith.constant 1 : i32
    %scan3A_147 = scf.for %scan3A_201 = %scan3A_143 to %scan3A_145 step %scan3A_146 iter_args(%scan3A_202 = %scan3A_142) -> (i32)  : i32 {
      %mul3A_203 = arith.constant 16 : i32
      %mul3A_204 = arith.muli %scan3A_201, %mul3A_203 : i32
      %get3A = arith.index_cast %mul3A_204 : i32 to index
      %get3A_205 = tpu.vector_load %arg9[%get3A] {strides = array<i32>} : memref<320xf32, #tpu.memory_space<vmem>>, vector<16xf32>,
      %lt3A = arith.constant 1.000000e+00 : f32
      %lt3A_206 = vector.broadcast %lt3A : f32 to vector<16xf32>
      %lt3A_207 = arith.cmpf olt, %get3A_205, %lt3A_206 : vector<16xf32>
      %convert_element_type3A = arith.extui %lt3A_207 : vector<16xi1> to vector<16xi32>
      %reduce_max3A = arith.constant true
      %reduce_max3A_208 = vector.broadcast %reduce_max3A : i1 to vector<16xi1>
      %reduce_max3A_209 = arith.constant -2147483648 : i32
      %reduce_max3A_210 = vector.broadcast %reduce_max3A_209 : i32 to vector<16xi32>
      %reduce_max3A_211 = arith.xori %convert_element_type3A, %reduce_max3A_210 : vector<16xi32>
      %reduce_max3A_212 = tpu.scan <max>, %reduce_max3A_211 masked %reduce_max3A_208 : vector<16xi32>, vector<16xi1> -> vector<16xi32>
      %reduce_max3A_213 = arith.xori %reduce_max3A_212, %reduce_max3A_210 : vector<16xi32>
      %reduce_max3A_214 = vector.extract %reduce_max3A_213[15] : i32 from vector<16xi32>
      %gt3A = arith.constant 0 : i32
      %gt3A_215 = arith.cmpi sgt, %reduce_max3A_214, %gt3A : i32
      %convert_element_type3A_216 = arith.extui %gt3A_215 : i1 to i32
      %cond3A = arith.constant 0 : i32
      %cond3A_217 = arith.cmpi ne, %convert_element_type3A_216, %cond3A : i32
      scf.if %cond3A_217 {
        %scan3A_219 = arith.constant 0 : i32
        %scan3A_220 = arith.constant 0 : i32
        %scan3A_221 = arith.constant 16 : i32
        %scan3A_222 = arith.addi %scan3A_220, %scan3A_221 : i32
        %scan3A_223 = arith.constant 1 : i32
        %scan3A_224 = scf.for %scan3A_226 = %scan3A_220 to %scan3A_222 step %scan3A_223 iter_args(%scan3A_227 = %scan3A_219) -> (i32)  : i32 {
          %mul3A_228 = arith.constant 16 : i32
          %mul3A_229 = arith.muli %scan3A_201, %mul3A_228 : i32
          %add3A_230 = arith.addi %mul3A_229, %scan3A_226 : i32
          %broadcast_in_dim3A_231 = vector.broadcast %add3A_230 : i32 to vector<16xi32>
          %gather3A = tpu.vector_load_idx %arg9[%broadcast_in_dim3A_231] : memref<320xf32, #tpu.memory_space<vmem>>[vector<16xi32>], vector<16xf32>,
          %get3A_232 = arith.index_cast %add3A_230 : i32 to index
          %get3A_233 = arith.constant 0 : index
          %get3A_234 = tpu.vector_load %arg10[%get3A_232, %get3A_233] {strides = array<i32>} : memref<320x128xf32, #tpu.memory_space<vmem>>, vector<16xf32>,
          %mul3A_235 = arith.mulf %get3A_234, %gather3A : vector<16xf32>
          %swap3A = arith.index_cast %add3A_230 : i32 to index
          %swap3A_236 = arith.constant 0 : index
          %swap3A_237 = tpu.vector_load %arg10[%swap3A, %swap3A_236] {strides = array<i32>} : memref<320x128xf32, #tpu.memory_space<vmem>>, vector<16xf32>,
          tpu.vector_store %arg10[%swap3A, %swap3A_236], %mul3A_235 {strides = array<i32>} : memref<320x128xf32, #tpu.memory_space<vmem>>, vector<16xf32>,
          %get3A_238 = arith.index_cast %add3A_230 : i32 to index
          %get3A_239 = arith.constant 16 : index
          %get3A_240 = tpu.vector_load %arg10[%get3A_238, %get3A_239] {strides = array<i32>} : memref<320x128xf32, #tpu.memory_space<vmem>>, vector<16xf32>,
          %mul3A_241 = arith.mulf %get3A_240, %gather3A : vector<16xf32>
          %swap3A_242 = arith.index_cast %add3A_230 : i32 to index
          %swap3A_243 = arith.constant 16 : index
          %swap3A_244 = tpu.vector_load %arg10[%swap3A_242, %swap3A_243] {strides = array<i32>} : memref<320x128xf32, #tpu.memory_space<vmem>>, vector<16xf32>,
          tpu.vector_store %arg10[%swap3A_242, %swap3A_243], %mul3A_241 {strides = array<i32>} : memref<320x128xf32, #tpu.memory_space<vmem>>, vector<16xf32>,
          %get3A_245 = arith.index_cast %add3A_230 : i32 to index
          %get3A_246 = arith.constant 32 : index
          %get3A_247 = tpu.vector_load %arg10[%get3A_245, %get3A_246] {strides = array<i32>} : memref<320x128xf32, #tpu.memory_space<vmem>>, vector<16xf32>,
          %mul3A_248 = arith.mulf %get3A_247, %gather3A : vector<16xf32>
          %swap3A_249 = arith.index_cast %add3A_230 : i32 to index
          %swap3A_250 = arith.constant 32 : index
          %swap3A_251 = tpu.vector_load %arg10[%swap3A_249, %swap3A_250] {strides = array<i32>} : memref<320x128xf32, #tpu.memory_space<vmem>>, vector<16xf32>,
          tpu.vector_store %arg10[%swap3A_249, %swap3A_250], %mul3A_248 {strides = array<i32>} : memref<320x128xf32, #tpu.memory_space<vmem>>, vector<16xf32>,
          %get3A_252 = arith.index_cast %add3A_230 : i32 to index
          %get3A_253 = arith.constant 48 : index
          %get3A_254 = tpu.vector_load %arg10[%get3A_252, %get3A_253] {strides = array<i32>} : memref<320x128xf32, #tpu.memory_space<vmem>>, vector<16xf32>,
          %mul3A_255 = arith.mulf %get3A_254, %gather3A : vector<16xf32>
          %swap3A_256 = arith.index_cast %add3A_230 : i32 to index
          %swap3A_257 = arith.constant 48 : index
          %swap3A_258 = tpu.vector_load %arg10[%swap3A_256, %swap3A_257] {strides = array<i32>} : memref<320x128xf32, #tpu.memory_space<vmem>>, vector<16xf32>,
          tpu.vector_store %arg10[%swap3A_256, %swap3A_257], %mul3A_255 {strides = array<i32>} : memref<320x128xf32, #tpu.memory_space<vmem>>, vector<16xf32>,
          %get3A_259 = arith.index_cast %add3A_230 : i32 to index
          %get3A_260 = arith.constant 64 : index
          %get3A_261 = tpu.vector_load %arg10[%get3A_259, %get3A_260] {strides = array<i32>} : memref<320x128xf32, #tpu.memory_space<vmem>>, vector<16xf32>,
          %mul3A_262 = arith.mulf %get3A_261, %gather3A : vector<16xf32>
          %swap3A_263 = arith.index_cast %add3A_230 : i32 to index
          %swap3A_264 = arith.constant 64 : index
          %swap3A_265 = tpu.vector_load %arg10[%swap3A_263, %swap3A_264] {strides = array<i32>} : memref<320x128xf32, #tpu.memory_space<vmem>>, vector<16xf32>,
          tpu.vector_store %arg10[%swap3A_263, %swap3A_264], %mul3A_262 {strides = array<i32>} : memref<320x128xf32, #tpu.memory_space<vmem>>, vector<16xf32>,
          %get3A_266 = arith.index_cast %add3A_230 : i32 to index
          %get3A_267 = arith.constant 80 : index
          %get3A_268 = tpu.vector_load %arg10[%get3A_266, %get3A_267] {strides = array<i32>} : memref<320x128xf32, #tpu.memory_space<vmem>>, vector<16xf32>,
          %mul3A_269 = arith.mulf %get3A_268, %gather3A : vector<16xf32>
          %swap3A_270 = arith.index_cast %add3A_230 : i32 to index
          %swap3A_271 = arith.constant 80 : index
          %swap3A_272 = tpu.vector_load %arg10[%swap3A_270, %swap3A_271] {strides = array<i32>} : memref<320x128xf32, #tpu.memory_space<vmem>>, vector<16xf32>,
          tpu.vector_store %arg10[%swap3A_270, %swap3A_271], %mul3A_269 {strides = array<i32>} : memref<320x128xf32, #tpu.memory_space<vmem>>, vector<16xf32>,
          %get3A_273 = arith.index_cast %add3A_230 : i32 to index
          %get3A_274 = arith.constant 96 : index
          %get3A_275 = tpu.vector_load %arg10[%get3A_273, %get3A_274] {strides = array<i32>} : memref<320x128xf32, #tpu.memory_space<vmem>>, vector<16xf32>,
          %mul3A_276 = arith.mulf %get3A_275, %gather3A : vector<16xf32>
          %swap3A_277 = arith.index_cast %add3A_230 : i32 to index
          %swap3A_278 = arith.constant 96 : index
          %swap3A_279 = tpu.vector_load %arg10[%swap3A_277, %swap3A_278] {strides = array<i32>} : memref<320x128xf32, #tpu.memory_space<vmem>>, vector<16xf32>,
          tpu.vector_store %arg10[%swap3A_277, %swap3A_278], %mul3A_276 {strides = array<i32>} : memref<320x128xf32, #tpu.memory_space<vmem>>, vector<16xf32>,
          %get3A_280 = arith.index_cast %add3A_230 : i32 to index
          %get3A_281 = arith.constant 112 : index
          %get3A_282 = tpu.vector_load %arg10[%get3A_280, %get3A_281] {strides = array<i32>} : memref<320x128xf32, #tpu.memory_space<vmem>>, vector<16xf32>,
          %mul3A_283 = arith.mulf %get3A_282, %gather3A : vector<16xf32>
          %swap3A_284 = arith.index_cast %add3A_230 : i32 to index
          %swap3A_285 = arith.constant 112 : index
          %swap3A_286 = tpu.vector_load %arg10[%swap3A_284, %swap3A_285] {strides = array<i32>} : memref<320x128xf32, #tpu.memory_space<vmem>>, vector<16xf32>,
          tpu.vector_store %arg10[%swap3A_284, %swap3A_285], %mul3A_283 {strides = array<i32>} : memref<320x128xf32, #tpu.memory_space<vmem>>, vector<16xf32>,
          %scan3A_287 = arith.constant 0 : i32
          scf.yield %scan3A_287 : i32
        }
        %scan3A_225 = arith.constant 16 : i32
      } else {
      }
      %scan3A_218 = arith.constant 0 : i32
      scf.yield %scan3A_218 : i32
    }
    %scan3A_148 = arith.constant 5 : i32
    %add3A_149 = arith.constant 240 : i32
    %add3A_150 = arith.addi %min3A_3, %add3A_149 : i32
    %dma_start3A_151 = arith.constant 240 : i32
    %dma_start3A_152 = arith.constant 0 : i32
    %dma_start3A_153 = tpu.memref_slice %arg10[%dma_start3A_151, %dma_start3A_152] : memref<320x128xf32, #tpu.memory_space<vmem>> -> memref<80x128xf32, #tpu.memory_space<vmem>>
    %dma_start3A_154 = arith.constant 0 : i32
    %dma_start3A_155 = tpu.memref_slice %arg4[%add3A_150, %dma_start3A_154] : memref<10000x128xf32, #tpu.memory_space<hbm>> -> memref<80x128xf32, #tpu.memory_space<hbm>>
    %dma_start3A_156 = arith.constant 0 : i32
    %dma_start3A_157 = tpu.memref_slice %arg4[%add3A_150, %dma_start3A_156] : memref<10000x128xf32, #tpu.memory_space<hbm>> -> memref<80x128xf32, #tpu.memory_space<hbm>>
    %dma_start3A_158 = arith.constant 240 : i32
    %dma_start3A_159 = arith.constant 0 : i32
    %dma_start3A_160 = tpu.memref_slice %arg10[%dma_start3A_158, %dma_start3A_159] : memref<320x128xf32, #tpu.memory_space<vmem>> -> memref<80x128xf32, #tpu.memory_space<vmem>>
    tpu.enqueue_dma source(%dma_start3A_160 : memref<80x128xf32, #tpu.memory_space<vmem>>) target(%dma_start3A_157 : memref<80x128xf32, #tpu.memory_space<hbm>>) target_semaphore(%arg13 : memref<!tpu.dma_semaphore, #tpu.memory_space<semaphore_mem>>)
    %dma_wait3A_161 = arith.constant 0 : i32
    %dma_wait3A_162 = arith.constant 0 : i32
    %dma_wait3A_163 = tpu.memref_slice %arg10[%dma_wait3A_161, %dma_wait3A_162] : memref<320x128xf32, #tpu.memory_space<vmem>> -> memref<80x128xf32, #tpu.memory_space<vmem>>
    %dma_wait3A_164 = arith.constant 0 : i32
    %dma_wait3A_165 = tpu.memref_slice %arg4[%add3A_93, %dma_wait3A_164] : memref<10000x128xf32, #tpu.memory_space<hbm>> -> memref<80x128xf32, #tpu.memory_space<hbm>>
    %dma_wait3A_166 = arith.constant 0 : i32
    %dma_wait3A_167 = tpu.memref_slice %arg4[%add3A_93, %dma_wait3A_166] : memref<10000x128xf32, #tpu.memory_space<hbm>> -> memref<80x128xf32, #tpu.memory_space<hbm>>
    %dma_wait3A_168 = arith.constant 0 : i32
    %dma_wait3A_169 = arith.constant 0 : i32
    %dma_wait3A_170 = tpu.memref_slice %arg10[%dma_wait3A_168, %dma_wait3A_169] : memref<320x128xf32, #tpu.memory_space<vmem>> -> memref<80x128xf32, #tpu.memory_space<vmem>>
    tpu.wait_dma2 semaphore(%arg13 : memref<!tpu.dma_semaphore, #tpu.memory_space<semaphore_mem>>) src(%dma_wait3A_170 : memref<80x128xf32, #tpu.memory_space<vmem>>) dst(%dma_wait3A_167 : memref<80x128xf32, #tpu.memory_space<hbm>>)
    %dma_wait3A_171 = arith.constant 80 : i32
    %dma_wait3A_172 = arith.constant 0 : i32
    %dma_wait3A_173 = tpu.memref_slice %arg10[%dma_wait3A_171, %dma_wait3A_172] : memref<320x128xf32, #tpu.memory_space<vmem>> -> memref<80x128xf32, #tpu.memory_space<vmem>>
    %dma_wait3A_174 = arith.constant 0 : i32
    %dma_wait3A_175 = tpu.memref_slice %arg4[%add3A_112, %dma_wait3A_174] : memref<10000x128xf32, #tpu.memory_space<hbm>> -> memref<80x128xf32, #tpu.memory_space<hbm>>
    %dma_wait3A_176 = arith.constant 0 : i32
    %dma_wait3A_177 = tpu.memref_slice %arg4[%add3A_112, %dma_wait3A_176] : memref<10000x128xf32, #tpu.memory_space<hbm>> -> memref<80x128xf32, #tpu.memory_space<hbm>>
    %dma_wait3A_178 = arith.constant 80 : i32
    %dma_wait3A_179 = arith.constant 0 : i32
    %dma_wait3A_180 = tpu.memref_slice %arg10[%dma_wait3A_178, %dma_wait3A_179] : memref<320x128xf32, #tpu.memory_space<vmem>> -> memref<80x128xf32, #tpu.memory_space<vmem>>
    tpu.wait_dma2 semaphore(%arg13 : memref<!tpu.dma_semaphore, #tpu.memory_space<semaphore_mem>>) src(%dma_wait3A_180 : memref<80x128xf32, #tpu.memory_space<vmem>>) dst(%dma_wait3A_177 : memref<80x128xf32, #tpu.memory_space<hbm>>)
    %dma_wait3A_181 = arith.constant 160 : i32
    %dma_wait3A_182 = arith.constant 0 : i32
    %dma_wait3A_183 = tpu.memref_slice %arg10[%dma_wait3A_181, %dma_wait3A_182] : memref<320x128xf32, #tpu.memory_space<vmem>> -> memref<80x128xf32, #tpu.memory_space<vmem>>
    %dma_wait3A_184 = arith.constant 0 : i32
    %dma_wait3A_185 = tpu.memref_slice %arg4[%add3A_131, %dma_wait3A_184] : memref<10000x128xf32, #tpu.memory_space<hbm>> -> memref<80x128xf32, #tpu.memory_space<hbm>>
    %dma_wait3A_186 = arith.constant 0 : i32
    %dma_wait3A_187 = tpu.memref_slice %arg4[%add3A_131, %dma_wait3A_186] : memref<10000x128xf32, #tpu.memory_space<hbm>> -> memref<80x128xf32, #tpu.memory_space<hbm>>
    %dma_wait3A_188 = arith.constant 160 : i32
    %dma_wait3A_189 = arith.constant 0 : i32
    %dma_wait3A_190 = tpu.memref_slice %arg10[%dma_wait3A_188, %dma_wait3A_189] : memref<320x128xf32, #tpu.memory_space<vmem>> -> memref<80x128xf32, #tpu.memory_space<vmem>>
    tpu.wait_dma2 semaphore(%arg13 : memref<!tpu.dma_semaphore, #tpu.memory_space<semaphore_mem>>) src(%dma_wait3A_190 : memref<80x128xf32, #tpu.memory_space<vmem>>) dst(%dma_wait3A_187 : memref<80x128xf32, #tpu.memory_space<hbm>>)
    %dma_wait3A_191 = arith.constant 240 : i32
    %dma_wait3A_192 = arith.constant 0 : i32
    %dma_wait3A_193 = tpu.memref_slice %arg10[%dma_wait3A_191, %dma_wait3A_192] : memref<320x128xf32, #tpu.memory_space<vmem>> -> memref<80x128xf32, #tpu.memory_space<vmem>>
    %dma_wait3A_194 = arith.constant 0 : i32
    %dma_wait3A_195 = tpu.memref_slice %arg4[%add3A_150, %dma_wait3A_194] : memref<10000x128xf32, #tpu.memory_space<hbm>> -> memref<80x128xf32, #tpu.memory_space<hbm>>
    %dma_wait3A_196 = arith.constant 0 : i32
    %dma_wait3A_197 = tpu.memref_slice %arg4[%add3A_150, %dma_wait3A_196] : memref<10000x128xf32, #tpu.memory_space<hbm>> -> memref<80x128xf32, #tpu.memory_space<hbm>>
    %dma_wait3A_198 = arith.constant 240 : i32
    %dma_wait3A_199 = arith.constant 0 : i32
    %dma_wait3A_200 = tpu.memref_slice %arg10[%dma_wait3A_198, %dma_wait3A_199] : memref<320x128xf32, #tpu.memory_space<vmem>> -> memref<80x128xf32, #tpu.memory_space<vmem>>
    tpu.wait_dma2 semaphore(%arg13 : memref<!tpu.dma_semaphore, #tpu.memory_space<semaphore_mem>>) src(%dma_wait3A_200 : memref<80x128xf32, #tpu.memory_space<vmem>>) dst(%dma_wait3A_197 : memref<80x128xf32, #tpu.memory_space<hbm>>)
    return
  }
}

</mosaic_0001>

<sc_bundles>
// kernel: kernel.3.cloned.1.call-start
scs
__scs_entry_jumppad:
0x0: {  	(pc) =	sbr.rel $0x88, $3  }
0x1: {  	(tag) =	ssettag $0x0;
	lr =	simm.s32 $0x1  }
0x2: {  	[smem:$0x3F9F] =	sst lr;
	_ =	strace $0xD0000000  }
0x3: {  	_ = 	snop  }
0x4: {  	_ = 	snop  }
0x5: {  	_ = 	snop  }
0x6: {  	_ = 	snop  }
0x7: {  	_ = 	snop  }
__scs_overlays_trampoline_lowered:
0x8: {  	[smem:$0x3FAE] =	sst s0  }
0x9: {  	[smem:$0x3FAF] =	sst s1  }
0xa: {  	[smem:$0x3FB0] =	sst s2  }
0xb: {  	[smem:$0x3FB1] =	sst s3  }
0xc: {  	[smem:$0x3FB2] =	sst s4  }
0xd: {  	[smem:$0x3FB3] =	sst s5  }
0xe: {  	[smem:$0x3FB4] =	sst s6  }
0xf: {  	[smem:$0x3FB5] =	sst s7  }
0x10: {  	[smem:$0x3FB6] =	sst s8  }
0x11: {  	[smem:$0x3FB7] =	sst s9;
	s0 =	simm.s32 @!p0 $0x0  }
0x12: {  	s1 =	sld [smem:$0x3F9D];
	s0 =	simm.s32 @p0 $0x1  }
0x13: {  	[smem:$0x3FB8] =	sst s0;
	s0 =	simm.s32 @!p1 $0x0  }
0x14: {  	s2 =	sld [smem:$0x3F9C];
	s0 =	simm.s32 @p1 $0x1  }
0x15: {  	[smem:$0x3FB9] =	sst s0;
	s0 =	simm.s32 @!p2 $0x0  }
0x16: {  	s3 =	sld [smem:$0x3FDB];
	s0 =	simm.s32 @p2 $0x1  }
0x17: {  	s4 =	simm.s32 $0x1BF5;
	[smem:$0x3FBB] =	sst s0  }
0x18: {  	s0 =	sld [smem:$0x3F9E];
	_ =	swait.ge [sflag:s4], $0x0  }
0x19: {  	s7 =	sld [smem:$0x3F9F]  }
0x1a: {  	s8 =	sadd.s32 $0xFFFFE003, lr  }
0x1b: {  	s9 =	sadd.s32 $0xFFFFFEF7, lr;
	s5 =	simm.s32 $0xFFFFFFFF;
	p2 =	slt.u32 s8, $0xFFFFF086  }
0x1c: {  	p1 =	slt.u32 s9, $0xF7A;
	s5 =	simm.s32 @!p2 $0x0  }
0x1d: {  	s5 =	simm.s32 @p1 $0x1;
	p0 =	seq.s32 s7, s2  }
0x1e: {  	s7 =	smul.u32 @!p0 $0xF7A, s2;
	p2 =	seq.s32 @!p0 s5, $0x0  }
0x1f: {  	s9 =	smul.u32 $0xF7A, s1;
	s8 =	simm.s32 @!p0 $0x1BF5;
	p2 =	por !p2, p0  }
0x20: {  	[sflag:s8] =	ssyncset.s32 @!p0 $0xFFFFF086;
	s6 =	sadd.s32 @!p0 s3, s7;
	s7 =	simm.s32 @!p0 $0x108  }
0x21: {  	s3 =	sadd.s32 s3, s9;
	s6 =	sadd.s32 @!p0 $0x88, s6;
	s7 =	simm.s32 @p2 $0x1082  }
0x22: {  	[simem:s7], [sflag:s8] =	dma.local @!p0 [hbm:s6], $0xF7A  }
0x23: {  	s9 =	sor.u32 $0xD0000000, s2;
	s6 =	simm.s32 $0x108;
	_ =	swait.ge @!p0 [sflag:s8], $0x0  }
0x24: {  	s3 =	sadd.s32 $0x88, s3;
	s6 =	simm.s32 @!p1 $0x1082;
	[sflag:s4] =	ssyncset.s32 $0xFFFFF086  }
0x25: {  	[simem:s6], [sflag:s4] =	dma.local [hbm:s3], $0xF7A  }
0x26: {  	[smem:$0x3F9F] =	sst s1;
	(tag) =	ssettag s2;
	_ =	strace s9  }
0x27: {  	s1 =	sld [smem:$0x3FAF]  }
0x28: {  	s2 =	sld [smem:$0x3FB0]  }
0x29: {  	s4 =	sld [smem:$0x3FB2]  }
0x2a: {  	p0 =	seq.s32 s5, $0x0;
	s5 =	sld [smem:$0x3FB3]  }
0x2b: {  	s6 =	sld [smem:$0x3FB4]  }
0x2c: {  	s7 =	sld [smem:$0x3FB5]  }
0x2d: {  	s3 =	simm.s32 $0x108;
	s8 =	sld [smem:$0x3FB6]  }
0x2e: {  	s3 =	simm.s32 @!p0 $0x1082;
	s9 =	sld [smem:$0x3FB7]  }
0x2f: {  	lr =	sadd.s32 s0, s3;
	s0 =	sld [smem:$0x3FAE]  }
0x30: {  	s3 =	sld [smem:$0x3FB1]  }
0x31: {  	[smem:$0x3FBA] =	sst s10  }
0x32: {  	s10 =	sld [smem:$0x3FB8];
	_ =	sdelay $0x3  }
0x33: {  	p0 =	seq.s32 s10, $0x1;
	s10 =	sld [smem:$0x3FBA];
	_ =	sdelay $0x3  }
0x34: {  	[smem:$0x3FBA] =	sst s10  }
0x35: {  	s10 =	sld [smem:$0x3FB9];
	_ =	sdelay $0x3  }
0x36: {  	p1 =	seq.s32 s10, $0x1;
	s10 =	sld [smem:$0x3FBA];
	_ =	sdelay $0x3  }
0x37: {  	[smem:$0x3FBA] =	sst s10  }
0x38: {  	s10 =	sld [smem:$0x3FBB]  }
0x39: {  	_ = 	snop;
	(pc) =	sbr.ind lr, $3  }
0x3a: {  	_ = 	snop  }
0x3b: {  	_ = 	snop  }
0x3c: {  	p2 =	seq.s32 s10, $0x1;
	s10 =	sld [smem:$0x3FBA]  }
0x3d: {  	_ =	shalt  }
0x3e: {  	_ =	shalt  }
0x3f: {  	_ =	shalt  }
0x40: {  	_ =	shalt  }
0x41: {  	_ =	shalt  }
0x42: {  	_ =	shalt  }
0x43: {  	_ =	shalt  }
0x44: {  	_ =	shalt  }
0x45: {  	_ =	shalt  }
0x46: {  	_ =	shalt  }
0x47: {  	_ =	shalt  }
0x48: {  	_ =	shalt  }
0x49: {  	_ =	shalt  }
0x4a: {  	_ =	shalt  }
0x4b: {  	_ =	shalt  }
0x4c: {  	_ =	shalt  }
0x4d: {  	_ =	shalt  }
0x4e: {  	_ =	shalt  }
0x4f: {  	_ =	shalt  }
0x50: {  	_ =	shalt  }
0x51: {  	_ =	shalt  }
0x52: {  	_ =	shalt  }
0x53: {  	_ =	shalt  }
0x54: {  	_ =	shalt  }
0x55: {  	_ =	shalt  }
0x56: {  	_ =	shalt  }
0x57: {  	_ =	shalt  }
0x58: {  	_ =	shalt  }
0x59: {  	_ =	shalt  }
0x5a: {  	_ =	shalt  }
0x5b: {  	_ =	shalt  }
0x5c: {  	_ =	shalt  }
0x5d: {  	_ =	shalt  }
0x5e: {  	_ =	shalt  }
0x5f: {  	_ =	shalt  }
0x60: {  	_ =	shalt  }
0x61: {  	_ =	shalt  }
0x62: {  	_ =	shalt  }
0x63: {  	_ =	shalt  }
0x64: {  	_ =	shalt  }
0x65: {  	_ =	shalt  }
0x66: {  	_ =	shalt  }
0x67: {  	_ =	shalt  }
0x68: {  	_ =	shalt  }
0x69: {  	_ =	shalt  }
0x6a: {  	_ =	shalt  }
0x6b: {  	_ =	shalt  }
0x6c: {  	_ =	shalt  }
0x6d: {  	_ =	shalt  }
0x6e: {  	_ =	shalt  }
0x6f: {  	_ =	shalt  }
0x70: {  	_ =	shalt  }
0x71: {  	_ =	shalt  }
0x72: {  	_ =	shalt  }
0x73: {  	_ =	shalt  }
0x74: {  	_ =	shalt  }
0x75: {  	_ =	shalt  }
0x76: {  	_ =	shalt  }
0x77: {  	_ =	shalt  }
0x78: {  	_ =	shalt  }
0x79: {  	_ =	shalt  }
0x7a: {  	_ =	shalt  }
0x7b: {  	_ =	shalt  }
0x7c: {  	_ =	shalt  }
0x7d: {  	_ =	shalt  }
0x7e: {  	_ =	shalt  }
0x7f: {  	_ =	shalt  }
0x80: {  	_ =	shalt  }
0x81: {  	_ =	shalt  }
0x82: {  	_ =	shalt  }
0x83: {  	_ =	shalt  }
0x84: {  	_ =	shalt  }
0x85: {  	_ =	shalt  }
0x86: {  	_ =	shalt  }
0x87: {  	_ =	shalt  }
.Lfunc_end0:
.L_simem_size_0:
called_computation_lowered:
.L_overlay_start_0:
0x88: {  	s2 =	sld [smem:$0x3FD9]  }
0x89: {  	s3 =	sld [smem:$0x3FFE];
	_ =	sdelay $0x1  }
0x8a: {  	s1 =	srdreg.scid  }
0x8b: {  	s0 =	sand.u32 $0x1, s1  }
0x8c: {  	s18 =	sshll.u32 s0, $0xA;
	s2 =	sadd.s32 s3, s2  }
0x8d: {  	s2 =	sadd.s32 s2, s18  }
0x8e: {  	[smem:$0x3FC6] =	sst s2  }
0x8f: {  	_ = 	snop  }
0x90: {  	s2 =	sld [smem:$0x3FC9]  }
0x91: {  	s19 =	sld [smem:$0x3FC8]  }
0x92: {  	s4 =	sld [smem:$0x3FD0];
	(tm) =	ssettm $0x1  }
0x93: {  	s5 =	sld [smem:$0x3FFB];
	_ =	sdelay $0x3  }
0x94: {  	_ =	strace s5  }
0x95: {  	s5 =	sld [smem:$0x3FFC];
	_ =	sdelay $0x3  }
0x96: {  	_ =	strace s5  }
0x97: {  	s5 =	sld [smem:$0x3FFD];
	_ =	sdelay $0x3  }
0x98: {  	_ =	strace s5  }
0x99: {  	_ =	strace $0x8FFFFFFF  }
0x9a: {  	s20 =	sld [smem:$0x3FDB];
	_ =	sdelay $0x1  }
0x9b: {  	s6 =	simm.s32 $_scs_section_size  }
0x9c: {  	s7 =	simm.s32 $_size__tile_overlayer_lowered;
	s8 =	simm.s32 $_tile_overlayer_lowered  }
0x9d: {  	s23 =	simm.s32 $0x1BFF;
	s22 =	sshll.u32 s8, $0x1;
	s5 =	sadd.s32 s6, s20  }
0x9e: {  	s9 =	simm.s32 $0x0;
	s21 =	sshll.u32 s7, $0x1;
	s7 =	sadd.s32 s22, s5  }
0x9f: {  	[timem:s9], [sflag:s23] =	dma.local [hbm:s7], s21  }
0xa0: {  	_ =	swait.ge [sflag:s23], s21  }
0xa1: {  	s6 =	ssub.s32 $0x0, s21;
	[sflag:s23] =	ssyncset.done $0x0  }
0xa2: {  	[sflag:s23] =	ssyncadd.s32 s6;
	_ =	sdelay $0x1  }
0xa3: {  	s24 =	simm.s32 $0x1B8B  }
0xa4: {  	_ =	swait.ge [sflag:s24], $0x1  }
0xa5: {  	[sflag:s24] =	ssyncset.done $0x0  }
0xa6: {  	s25 =	simm.s32 $0x1B8E;
	[sflag:s24] =	ssyncadd.s32 $0xFFFFFFFF  }
0xa7: {  	s26 =	simm.s32 $execute0_lowered;
	[smem:$0x3FD2] =	sst s25  }
0xa8: {  	s6 =	sshll.u32 s26, $0x1;
	_ =	strace $0x80000046;
	[dreg:$0x1] =	wrdreg $0xFFFFFFFF  }
0xa9: {  	s28 =	simm.s32 $_size_execute0_lowered;
	s5 =	sadd.s32 s5, s6;
	[dreg:$0x0] =	wrdreg $0x0  }
0xaa: {  	s6 =	sshll.u32 s28, $0x1;
	[dreg:$0x2] =	wrdreg s5  }
0xab: {  	[dreg:$0x3] =	wrdreg s6  }
0xac: {  	[dreg:$0x4] =	wrdreg $0xC0  }
0xad: {  	_ =	task [dreg:s9], $0x5FFFF  }
0xae: {  	[dreg:$0x1] =	wrdreg $0xFFFFFFFF  }
0xaf: {  	[dreg:$0x0] =	wrdreg $0x60  }
0xb0: {  	[dreg:$0x2] =	wrdreg s2  }
0xb1: {  	[dreg:$0x3] =	wrdreg s19  }
0xb2: {  	[dreg:$0x4] =	wrdreg s4  }
0xb3: {  	[dreg:$0x5] =	wrdreg $0x76800  }
0xb4: {  	[dreg:$0x6] =	wrdreg $0x9  }
0xb5: {  	_ =	task.clear_ibuf [dreg:s9], $0x7FFFF;
	_ =	strace $0x90000046  }
0xb6: {  	s29 =	simm.s32 $0x9;
	_ =	strace $0x80000048  }
0xb7: {  	_ =	swait.ge [sflag:s29], $0x1  }
0xb8: {  	[sflag:s29] =	ssyncadd.s32 $0xFFFFFFFF  }
0xb9: {  	_ =	strace $0x90000048  }
0xba: {  	_ =	sfence  }
0xbb: {  	s30 =	sld [smem:$0x0];
	_ =	sdelay $0x2  }
0xbc: {  	s31 =	sshll.u32 s1, $0xD;
	s1 =	sshrl.u32 s1, $0x2  }
0xbd: {  	s3 =	sand.u32 $0x4000, s31;
	s1 =	sadd.s32 s1, s30  }
0xbe: {  	s0 =	sor.u32 s3, s0;
	s1 =	sshll.u32 s1, $0x11  }
0xbf: {  	s0 =	sor.u32 s1, s0  }
0xc0: {  	s0 =	sadd.s32 $0x8F2B, s0  }
0xc1: {  	[sflag:s0] =	ssyncadd.remote.s32 $0x1  }
0xc2: {  	_ =	sfence.sel $0xFFFF  }
0xc3: {  	[dreg:$0x0] =	wrdreg $0xFFFFFFFF;
	(pc) =	sbr.abs _section_cstart, $3  }
0xc4: {  	[dreg:$0x1] =	wrdreg $0xFFFFFFFF  }
0xc5: {  	_ =	task.clear_ibuf [dreg:s9], $0x2FFFF;
	_ =	strace $0x9FFFFFFF  }
0xc6: {  	(tm) =	ssettm $0x7FFFFFFF  }
0xc7: {  	_ =	shalt  }
tec
execute0_lowered:
.L_overlay_start_1:
0x0: {  	(tag) =	ssettag $0x1  }
0x1: {  	s0 =	rddreg [dreg:$0x0]  }
0x2: {  	s1 =	rddreg [dreg:$0x1]  }
0x3: {  	s9 =	rddreg [dreg:$0x2]  }
0x4: {  	s8 =	rddreg [dreg:$0x3]  }
0x5: {  	s3 =	srdreg.scid;
	s10 =	stileid.u32;
	s2 =	simm.s32 $0x0  }
0x6: {  	s14 =	simm.s32 $0x80;
	s15 =	simm.s32 $0x100;
	s17 =	simm.s32 $0x9FC0  }
0x7: {  	s18 =	simm.s32 $0x1;
	s19 =	simm.s32 $0x4E80;
	s20 =	simm.s32 $0x2  }
0x8: {  	s21 =	simm.s32 $0x4;
	s29 =	simm.s32 $0xEFC0;
	s4 =	smul.u32 $0x9D, s10  }
0x9: {  	s30 =	simm.s32 $0x117C0;
	s31 =	simm.s32 $0x0;
	s5 =	smul.u32 $0x140, s10  }
0xa: {  	s3 =	sand.u32 $0x1, s3;
	[smem:$0x7FF] =	sst s2;
	s10 =	smul.u32 $0x5000, s10  }
0xb: {  	s7 =	smul.u32 $0x1400, s3;
	s3 =	ssub.s32 $0x2, s3;
	_ =	strace $0x80000047  }
0xc: {  	s4 =	smin.u32 s4, $0x927;
	s6 =	sshrl.u32 s3, $0x1;
	s26 =	sshrl.u32 s10, $0x2  }
0xd: {  	s4 =	sshll.u32 s4, $0x5;
	s5 =	sadd.s32 s5, s7;
	s13 =	ssub.s32 s3, s6  }
0xe: {  	s6 =	sadd.s32 s26, s8;
	s26 =	simm.s32 $0x9E80;
	s1 =	sadd.s32 s4, s1  }
.Ltmp0:
0xf: {  	s11 =	smin.u32 s5, $0x25D0;
	s13 =	smax.u32 s13, $0x1;
	(pc) =	sbr.rel .LBB2_1-.Ltmp0, $4  }
0x10: {  	s3 =	sadd.s32 $0x10, s1;
	s4 =	sadd.s32 $0x9D0, s1;
	s25 =	sshll.u32 s11, $0x4  }
0x11: {  	s28 =	ssub.s32 s11, s7;
	s7 =	sadd.s32 $0x4E80, s7;
	s5 =	sadd.s32 s0, s25  }
0x12: {  	v0 =	vimm.f32 $0.0e+00;
	s8 =	sadd.s32 s28, s8;
	s9 =	sadd.s32 s9, s25;
	s25 =	simm.s32 $0x3  }
0x13: {  	v1 =	vimm.f32 $1.000000000e+00;
	v2 =	vimm.f32 $5.000000000e-01;
	v3 =	vimm.s32 $0x0;
	s10 =	sadd.s32 $0x500, s9;
	s11 =	sadd.s32 $0xA00, s9;
	s12 =	sadd.s32 $0xF00, s9  }
.LBB2_37:
0x14: {  	[hbm4b:s12+s2] =	stream.linear.scatter [tilespmem:s30], [sflag:$0x3], $0x2800, $0x38;
	[tilespmem:$0x13FC0] =	vst v63  }
0x15: {  	_ =	swait.ge [sflag:s25], $0x2800  }
0x16: {  	[sflag:s25] =	ssyncset.done $0x0  }
0x17: {  	[sflag:s25] =	ssyncadd.s32 $0xFFFFD800  }
0x18: {  	_ =	swait.ge [sflag:s25], $0x2800  }
0x19: {  	[sflag:s25] =	ssyncset.done $0x0  }
0x1a: {  	s31 =	sadd.s32 $0x1, s31;
	[sflag:s25] =	ssyncadd.s32 $0xFFFFD800  }
0x1b: {  	p0 =	sne.s32 s31, s13;
	_ =	swait.ge [sflag:s25], $0x2800  }
.Ltmp1:
0x1c: {  	[sflag:s25] =	ssyncset.done $0x0;
	(pc) =	sbr.rel @!p0 .LBB2_38-.Ltmp1, $4  }
0x1d: {  	[sflag:s25] =	ssyncadd.s32 $0xFFFFD800  }
0x1e: {  	_ =	swait.ge [sflag:s25], $0x2800  }
0x1f: {  	[sflag:s25] =	ssyncset.done $0x0  }
0x20: {  	[sflag:s25] =	ssyncadd.s32 $0xFFFFD800  }
.LBB2_1:
0x21: {  	[tilespmem:s2], [sflag:$0x1] =	stream.strided.gather [hbm4b:s3+s14], $0x2700, s15, s14, $0x38;
	[tilespmem:$0x13FC0] =	vst v63  }
0x22: {  	s0 =	simm.s32 $0x2700  }
0x23: {  	[tilespmem:s0], [sflag:$0x2] =	stream.strided.gather [hbm4b:s4+s14], $0x2780, s15, s14, $0x38;
	[tilespmem:$0x13FC0] =	vst v63  }
0x24: {  	s0 =	simm.s32 $0x4EC0  }
0x25: {  	[tilespmem:s17], [sflag:$0x3] =	stream.linear.gather [hbm4b:s5+s2], $0xA000, $0x38;
	[tilespmem:$0x13FC0] =	vst v63  }
0x26: {  	[tilespmem:s0+$0xFFFFFFC0] =	vst v0  }
0x27: {  	[tilespmem:s0+$0x30] =	vst v0  }
0x28: {  	[tilespmem:s0+$0x20] =	vst v0  }
0x29: {  	[tilespmem:s0+$0x10] =	vst v0  }
0x2a: {  	[tilespmem:s0+$0x0] =	vst v0  }
0x2b: {  	[tilespmem:s0+$0xFFFFFFF0] =	vst v0  }
0x2c: {  	s1 =	simm.s32 $0x0;
	[tilespmem:s0+$0xFFFFFFE0] =	vst v0  }
.LBB2_2:
0x2d: {  	s1 =	sadd.s32 $0x8, s1;
	[tilespmem:s0+$0xFFFFFFD0] =	vst v0;
	s0 =	sadd.s32 $0x80, s0  }
0x2e: {  	[tilespmem:s0+$0xFFFFFFC0] =	vst v0;
	p0 =	slt.u32 s1, $0x278  }
0x2f: {  	[tilespmem:s0+$0x30] =	vst v0  }
.Ltmp2:
0x30: {  	[tilespmem:s0+$0x20] =	vst v0;
	(pc) =	sbr.rel @p0 .LBB2_2-.Ltmp2, $4  }
0x31: {  	[tilespmem:s0+$0x10] =	vst v0  }
0x32: {  	[tilespmem:s0+$0x0] =	vst v0  }
0x33: {  	[tilespmem:s0+$0xFFFFFFF0] =	vst v0  }
0x34: {  	[tilespmem:s0+$0xFFFFFFE0] =	vst v0  }
0x35: {  	[tilespmem:s0+$0xFFFFFFD0] =	vst v0  }
0x36: {  	_ =	swait.ge [sflag:s18], $0x2700  }
0x37: {  	[sflag:s18] =	ssyncset.done $0x0  }
0x38: {  	s1 =	simm.s32 $0x200;
	[sflag:s18] =	ssyncadd.s32 $0xFFFFD900  }
0x39: {  	v4 =	vld [tilespmem:s1+$0x180]  }
0x3a: {  	v5 =	vld [tilespmem:s1+$0xFFFFFE80];
	_ =	sdelay $0x1  }
0x3b: {  	v6 =	vld [tilespmem:s1+$0xFFFFFF00]  }
0x3c: {  	v7 =	vld [tilespmem:s1+$0xFFFFFF80]  }
0x3d: {  	v8 =	vld [tilespmem:s1+$0x0]  }
0x3e: {  	v9 =	vld [tilespmem:s1+$0x80]  }
0x3f: {  	v10 =	vld [tilespmem:s1+$0x100]  }
0x40: {  	v11 =	vld [tilespmem:s1+$0xFFFFFE00];
	[tilespmem:v4+s19+$0x0] =	vst.idx.msk $0xffff, v1  }
0x41: {  	[tilespmem:v5+s19+$0x0] =	vst.idx.msk $0xffff, v1;
	v4 =	vld [tilespmem:s1+$0x190]  }
0x42: {  	v5 =	vld [tilespmem:s1+$0xFFFFFE90]  }
0x43: {  	[tilespmem:v6+s19+$0x0] =	vst.idx.msk $0xffff, v1  }
0x44: {  	[tilespmem:v7+s19+$0x0] =	vst.idx.msk $0xffff, v1;
	v6 =	vld [tilespmem:s1+$0xFFFFFF10]  }
0x45: {  	[tilespmem:v8+s19+$0x0] =	vst.idx.msk $0xffff, v1;
	v7 =	vld [tilespmem:s1+$0xFFFFFF90]  }
0x46: {  	[tilespmem:v9+s19+$0x0] =	vst.idx.msk $0xffff, v1;
	v8 =	vld [tilespmem:s1+$0x10]  }
0x47: {  	[tilespmem:v10+s19+$0x0] =	vst.idx.msk $0xffff, v1;
	v9 =	vld [tilespmem:s1+$0x90]  }
0x48: {  	[tilespmem:v11+s19+$0x0] =	vst.idx.msk $0xffff, v1;
	v10 =	vld [tilespmem:s1+$0x110]  }
0x49: {  	v11 =	vld [tilespmem:s1+$0xFFFFFE10];
	[tilespmem:v4+s19+$0x0] =	vst.idx.msk $0xffff, v1  }
0x4a: {  	[tilespmem:v5+s19+$0x0] =	vst.idx.msk $0xffff, v1;
	v4 =	vld [tilespmem:s1+$0x1A0]  }
0x4b: {  	v5 =	vld [tilespmem:s1+$0xFFFFFEA0]  }
0x4c: {  	[tilespmem:v6+s19+$0x0] =	vst.idx.msk $0xffff, v1  }
0x4d: {  	[tilespmem:v7+s19+$0x0] =	vst.idx.msk $0xffff, v1;
	v6 =	vld [tilespmem:s1+$0xFFFFFF20]  }
0x4e: {  	[tilespmem:v8+s19+$0x0] =	vst.idx.msk $0xffff, v1;
	v7 =	vld [tilespmem:s1+$0xFFFFFFA0]  }
0x4f: {  	[tilespmem:v9+s19+$0x0] =	vst.idx.msk $0xffff, v1;
	v8 =	vld [tilespmem:s1+$0x20]  }
0x50: {  	[tilespmem:v10+s19+$0x0] =	vst.idx.msk $0xffff, v1;
	v9 =	vld [tilespmem:s1+$0xA0]  }
0x51: {  	[tilespmem:v11+s19+$0x0] =	vst.idx.msk $0xffff, v1;
	v10 =	vld [tilespmem:s1+$0x120]  }
0x52: {  	v11 =	vld [tilespmem:s1+$0xFFFFFE20];
	[tilespmem:v4+s19+$0x0] =	vst.idx.msk $0xffff, v1  }
0x53: {  	[tilespmem:v5+s19+$0x0] =	vst.idx.msk $0xffff, v1;
	v4 =	vld [tilespmem:s1+$0x1B0]  }
0x54: {  	v5 =	vld [tilespmem:s1+$0xFFFFFEB0]  }
0x55: {  	[tilespmem:v6+s19+$0x0] =	vst.idx.msk $0xffff, v1  }
0x56: {  	[tilespmem:v7+s19+$0x0] =	vst.idx.msk $0xffff, v1;
	v6 =	vld [tilespmem:s1+$0xFFFFFF30]  }
0x57: {  	[tilespmem:v8+s19+$0x0] =	vst.idx.msk $0xffff, v1;
	v7 =	vld [tilespmem:s1+$0xFFFFFFB0]  }
0x58: {  	[tilespmem:v9+s19+$0x0] =	vst.idx.msk $0xffff, v1;
	v8 =	vld [tilespmem:s1+$0x30]  }
0x59: {  	[tilespmem:v10+s19+$0x0] =	vst.idx.msk $0xffff, v1;
	v9 =	vld [tilespmem:s1+$0xB0]  }
0x5a: {  	[tilespmem:v11+s19+$0x0] =	vst.idx.msk $0xffff, v1;
	v10 =	vld [tilespmem:s1+$0x130]  }
0x5b: {  	v11 =	vld [tilespmem:s1+$0xFFFFFE30];
	[tilespmem:v4+s19+$0x0] =	vst.idx.msk $0xffff, v1  }
0x5c: {  	[tilespmem:v5+s19+$0x0] =	vst.idx.msk $0xffff, v1;
	v4 =	vld [tilespmem:s1+$0x1C0]  }
0x5d: {  	v5 =	vld [tilespmem:s1+$0xFFFFFEC0]  }
0x5e: {  	[tilespmem:v6+s19+$0x0] =	vst.idx.msk $0xffff, v1  }
0x5f: {  	[tilespmem:v7+s19+$0x0] =	vst.idx.msk $0xffff, v1;
	v6 =	vld [tilespmem:s1+$0xFFFFFF40]  }
0x60: {  	[tilespmem:v8+s19+$0x0] =	vst.idx.msk $0xffff, v1;
	v7 =	vld [tilespmem:s1+$0xFFFFFFC0]  }
0x61: {  	[tilespmem:v9+s19+$0x0] =	vst.idx.msk $0xffff, v1;
	v8 =	vld [tilespmem:s1+$0x40]  }
0x62: {  	[tilespmem:v10+s19+$0x0] =	vst.idx.msk $0xffff, v1;
	v9 =	vld [tilespmem:s1+$0xC0]  }
0x63: {  	[tilespmem:v11+s19+$0x0] =	vst.idx.msk $0xffff, v1;
	v10 =	vld [tilespmem:s1+$0x140]  }
0x64: {  	v11 =	vld [tilespmem:s1+$0xFFFFFE40];
	[tilespmem:v4+s19+$0x0] =	vst.idx.msk $0xffff, v1  }
0x65: {  	[tilespmem:v5+s19+$0x0] =	vst.idx.msk $0xffff, v1;
	v4 =	vld [tilespmem:s1+$0x1D0]  }
0x66: {  	v5 =	vld [tilespmem:s1+$0xFFFFFED0]  }
0x67: {  	[tilespmem:v6+s19+$0x0] =	vst.idx.msk $0xffff, v1  }
0x68: {  	[tilespmem:v7+s19+$0x0] =	vst.idx.msk $0xffff, v1;
	v6 =	vld [tilespmem:s1+$0xFFFFFF50]  }
0x69: {  	[tilespmem:v8+s19+$0x0] =	vst.idx.msk $0xffff, v1;
	v7 =	vld [tilespmem:s1+$0xFFFFFFD0]  }
0x6a: {  	[tilespmem:v9+s19+$0x0] =	vst.idx.msk $0xffff, v1;
	v8 =	vld [tilespmem:s1+$0x50]  }
0x6b: {  	[tilespmem:v10+s19+$0x0] =	vst.idx.msk $0xffff, v1;
	v9 =	vld [tilespmem:s1+$0xD0]  }
0x6c: {  	[tilespmem:v11+s19+$0x0] =	vst.idx.msk $0xffff, v1;
	v10 =	vld [tilespmem:s1+$0x150]  }
0x6d: {  	v11 =	vld [tilespmem:s1+$0xFFFFFE50];
	[tilespmem:v4+s19+$0x0] =	vst.idx.msk $0xffff, v1  }
0x6e: {  	[tilespmem:v5+s19+$0x0] =	vst.idx.msk $0xffff, v1;
	v4 =	vld [tilespmem:s1+$0x1E0]  }
0x6f: {  	v5 =	vld [tilespmem:s1+$0xFFFFFEE0]  }
0x70: {  	[tilespmem:v6+s19+$0x0] =	vst.idx.msk $0xffff, v1  }
0x71: {  	[tilespmem:v7+s19+$0x0] =	vst.idx.msk $0xffff, v1;
	v6 =	vld [tilespmem:s1+$0xFFFFFF60]  }
0x72: {  	[tilespmem:v8+s19+$0x0] =	vst.idx.msk $0xffff, v1;
	v7 =	vld [tilespmem:s1+$0xFFFFFFE0]  }
0x73: {  	[tilespmem:v9+s19+$0x0] =	vst.idx.msk $0xffff, v1;
	v8 =	vld [tilespmem:s1+$0x60]  }
0x74: {  	[tilespmem:v10+s19+$0x0] =	vst.idx.msk $0xffff, v1;
	v9 =	vld [tilespmem:s1+$0xE0]  }
0x75: {  	[tilespmem:v11+s19+$0x0] =	vst.idx.msk $0xffff, v1;
	v10 =	vld [tilespmem:s1+$0x160]  }
0x76: {  	s0 =	simm.s32 $0x600;
	v11 =	vld [tilespmem:s1+$0xFFFFFE60];
	[tilespmem:v4+s19+$0x0] =	vst.idx.msk $0xffff, v1  }
0x77: {  	[tilespmem:v5+s19+$0x0] =	vst.idx.msk $0xffff, v1;
	v5 =	vld [tilespmem:s0+$0x180]  }
0x78: {  	v4 =	vld [tilespmem:s1+$0x1F0]  }
0x79: {  	[tilespmem:v6+s19+$0x0] =	vst.idx.msk $0xffff, v1;
	v6 =	vld [tilespmem:s0+$0xFFFFFE80]  }
0x7a: {  	[tilespmem:v7+s19+$0x0] =	vst.idx.msk $0xffff, v1;
	v7 =	vld [tilespmem:s0+$0xFFFFFF00]  }
0x7b: {  	[tilespmem:v8+s19+$0x0] =	vst.idx.msk $0xffff, v1;
	v8 =	vld [tilespmem:s0+$0xFFFFFF80]  }
0x7c: {  	[tilespmem:v9+s19+$0x0] =	vst.idx.msk $0xffff, v1;
	v9 =	vld [tilespmem:s0+$0x0]  }
0x7d: {  	[tilespmem:v10+s19+$0x0] =	vst.idx.msk $0xffff, v1;
	v10 =	vld [tilespmem:s0+$0x80]  }
0x7e: {  	[tilespmem:v11+s19+$0x0] =	vst.idx.msk $0xffff, v1;
	v11 =	vld [tilespmem:s0+$0x100]  }
0x7f: {  	v12 =	vld [tilespmem:s0+$0xFFFFFE00];
	[tilespmem:v5+s19+$0x0] =	vst.idx.msk $0xffff, v1  }
0x80: {  	[tilespmem:v4+s19+$0x0] =	vst.idx.msk $0xffff, v1;
	v4 =	vld [tilespmem:s1+$0xFFFFFE70]  }
0x81: {  	[tilespmem:v6+s19+$0x0] =	vst.idx.msk $0xffff, v1;
	v5 =	vld [tilespmem:s0+$0x190]  }
0x82: {  	[tilespmem:v7+s19+$0x0] =	vst.idx.msk $0xffff, v1;
	v6 =	vld [tilespmem:s0+$0xFFFFFE90]  }
0x83: {  	[tilespmem:v8+s19+$0x0] =	vst.idx.msk $0xffff, v1;
	v7 =	vld [tilespmem:s0+$0xFFFFFF10]  }
0x84: {  	[tilespmem:v9+s19+$0x0] =	vst.idx.msk $0xffff, v1;
	v8 =	vld [tilespmem:s0+$0xFFFFFF90]  }
0x85: {  	[tilespmem:v10+s19+$0x0] =	vst.idx.msk $0xffff, v1;
	v9 =	vld [tilespmem:s0+$0x10]  }
0x86: {  	[tilespmem:v11+s19+$0x0] =	vst.idx.msk $0xffff, v1;
	v10 =	vld [tilespmem:s0+$0x90]  }
0x87: {  	[tilespmem:v12+s19+$0x0] =	vst.idx.msk $0xffff, v1;
	v11 =	vld [tilespmem:s0+$0x110]  }
0x88: {  	v12 =	vld [tilespmem:s0+$0xFFFFFE10];
	[tilespmem:v4+s19+$0x0] =	vst.idx.msk $0xffff, v1  }
0x89: {  	[tilespmem:v5+s19+$0x0] =	vst.idx.msk $0xffff, v1;
	v4 =	vld [tilespmem:s1+$0xFFFFFEF0]  }
0x8a: {  	[tilespmem:v6+s19+$0x0] =	vst.idx.msk $0xffff, v1;
	v5 =	vld [tilespmem:s0+$0x1A0]  }
0x8b: {  	[tilespmem:v7+s19+$0x0] =	vst.idx.msk $0xffff, v1;
	v6 =	vld [tilespmem:s0+$0xFFFFFEA0]  }
0x8c: {  	[tilespmem:v8+s19+$0x0] =	vst.idx.msk $0xffff, v1;
	v7 =	vld [tilespmem:s0+$0xFFFFFF20]  }
0x8d: {  	[tilespmem:v9+s19+$0x0] =	vst.idx.msk $0xffff, v1;
	v8 =	vld [tilespmem:s0+$0xFFFFFFA0]  }
0x8e: {  	[tilespmem:v10+s19+$0x0] =	vst.idx.msk $0xffff, v1;
	v9 =	vld [tilespmem:s0+$0x20]  }
0x8f: {  	[tilespmem:v11+s19+$0x0] =	vst.idx.msk $0xffff, v1;
	v10 =	vld [tilespmem:s0+$0xA0]  }
0x90: {  	[tilespmem:v12+s19+$0x0] =	vst.idx.msk $0xffff, v1;
	v11 =	vld [tilespmem:s0+$0x120]  }
0x91: {  	v12 =	vld [tilespmem:s0+$0xFFFFFE20];
	[tilespmem:v4+s19+$0x0] =	vst.idx.msk $0xffff, v1  }
0x92: {  	v4 =	vld [tilespmem:s1+$0xFFFFFF70];
	[tilespmem:v5+s19+$0x0] =	vst.idx.msk $0xffff, v1  }
0x93: {  	[tilespmem:v6+s19+$0x0] =	vst.idx.msk $0xffff, v1;
	v5 =	vld [tilespmem:s0+$0x1B0]  }
0x94: {  	[tilespmem:v7+s19+$0x0] =	vst.idx.msk $0xffff, v1;
	v6 =	vld [tilespmem:s0+$0xFFFFFEB0]  }
0x95: {  	[tilespmem:v8+s19+$0x0] =	vst.idx.msk $0xffff, v1;
	v7 =	vld [tilespmem:s0+$0xFFFFFF30]  }
0x96: {  	[tilespmem:v9+s19+$0x0] =	vst.idx.msk $0xffff, v1;
	v8 =	vld [tilespmem:s0+$0xFFFFFFB0]  }
0x97: {  	[tilespmem:v10+s19+$0x0] =	vst.idx.msk $0xffff, v1;
	v9 =	vld [tilespmem:s0+$0x30]  }
0x98: {  	[tilespmem:v11+s19+$0x0] =	vst.idx.msk $0xffff, v1;
	v10 =	vld [tilespmem:s0+$0xB0]  }
0x99: {  	[tilespmem:v12+s19+$0x0] =	vst.idx.msk $0xffff, v1;
	v11 =	vld [tilespmem:s0+$0x130]  }
0x9a: {  	v12 =	vld [tilespmem:s0+$0xFFFFFE30];
	[tilespmem:v4+s19+$0x0] =	vst.idx.msk $0xffff, v1  }
0x9b: {  	v4 =	vld [tilespmem:s1+$0xFFFFFFF0];
	[tilespmem:v5+s19+$0x0] =	vst.idx.msk $0xffff, v1  }
0x9c: {  	[tilespmem:v6+s19+$0x0] =	vst.idx.msk $0xffff, v1;
	v5 =	vld [tilespmem:s0+$0x1C0]  }
0x9d: {  	[tilespmem:v7+s19+$0x0] =	vst.idx.msk $0xffff, v1;
	v6 =	vld [tilespmem:s0+$0xFFFFFEC0]  }
0x9e: {  	[tilespmem:v8+s19+$0x0] =	vst.idx.msk $0xffff, v1;
	v7 =	vld [tilespmem:s0+$0xFFFFFF40]  }
0x9f: {  	[tilespmem:v9+s19+$0x0] =	vst.idx.msk $0xffff, v1;
	v8 =	vld [tilespmem:s0+$0xFFFFFFC0]  }
0xa0: {  	[tilespmem:v10+s19+$0x0] =	vst.idx.msk $0xffff, v1;
	v9 =	vld [tilespmem:s0+$0x40]  }
0xa1: {  	[tilespmem:v11+s19+$0x0] =	vst.idx.msk $0xffff, v1;
	v10 =	vld [tilespmem:s0+$0xC0]  }
0xa2: {  	[tilespmem:v12+s19+$0x0] =	vst.idx.msk $0xffff, v1;
	v11 =	vld [tilespmem:s0+$0x140]  }
0xa3: {  	v12 =	vld [tilespmem:s0+$0xFFFFFE40];
	[tilespmem:v4+s19+$0x0] =	vst.idx.msk $0xffff, v1  }
0xa4: {  	v4 =	vld [tilespmem:s1+$0x70];
	[tilespmem:v5+s19+$0x0] =	vst.idx.msk $0xffff, v1  }
0xa5: {  	[tilespmem:v6+s19+$0x0] =	vst.idx.msk $0xffff, v1;
	v5 =	vld [tilespmem:s0+$0x1D0]  }
0xa6: {  	[tilespmem:v7+s19+$0x0] =	vst.idx.msk $0xffff, v1;
	v6 =	vld [tilespmem:s0+$0xFFFFFED0]  }
0xa7: {  	[tilespmem:v8+s19+$0x0] =	vst.idx.msk $0xffff, v1;
	v7 =	vld [tilespmem:s0+$0xFFFFFF50]  }
0xa8: {  	[tilespmem:v9+s19+$0x0] =	vst.idx.msk $0xffff, v1;
	v8 =	vld [tilespmem:s0+$0xFFFFFFD0]  }
0xa9: {  	[tilespmem:v10+s19+$0x0] =	vst.idx.msk $0xffff, v1;
	v9 =	vld [tilespmem:s0+$0x50]  }
0xaa: {  	[tilespmem:v11+s19+$0x0] =	vst.idx.msk $0xffff, v1;
	v10 =	vld [tilespmem:s0+$0xD0]  }
0xab: {  	[tilespmem:v12+s19+$0x0] =	vst.idx.msk $0xffff, v1;
	v11 =	vld [tilespmem:s0+$0x150]  }
0xac: {  	v12 =	vld [tilespmem:s0+$0xFFFFFE50];
	[tilespmem:v4+s19+$0x0] =	vst.idx.msk $0xffff, v1  }
0xad: {  	v13 =	vld [tilespmem:s1+$0xF0];
	[tilespmem:v5+s19+$0x0] =	vst.idx.msk $0xffff, v1  }
0xae: {  	[tilespmem:v6+s19+$0x0] =	vst.idx.msk $0xffff, v1;
	v14 =	vld [tilespmem:s0+$0x1E0]  }
0xaf: {  	[tilespmem:v7+s19+$0x0] =	vst.idx.msk $0xffff, v1;
	v15 =	vld [tilespmem:s0+$0xFFFFFEE0]  }
0xb0: {  	[tilespmem:v8+s19+$0x0] =	vst.idx.msk $0xffff, v1;
	v7 =	vld [tilespmem:s0+$0xFFFFFF60]  }
0xb1: {  	[tilespmem:v9+s19+$0x0] =	vst.idx.msk $0xffff, v1;
	v4 =	vld [tilespmem:s0+$0xFFFFFFE0]  }
0xb2: {  	[tilespmem:v10+s19+$0x0] =	vst.idx.msk $0xffff, v1;
	v5 =	vld [tilespmem:s0+$0x60]  }
0xb3: {  	[tilespmem:v11+s19+$0x0] =	vst.idx.msk $0xffff, v1;
	v6 =	vld [tilespmem:s0+$0xE0]  }
0xb4: {  	[tilespmem:v12+s19+$0x0] =	vst.idx.msk $0xffff, v1;
	v8 =	vld [tilespmem:s0+$0x160]  }
0xb5: {  	[tilespmem:v13+s19+$0x0] =	vst.idx.msk $0xffff, v1;
	v11 =	vld [tilespmem:s0+$0xFFFFFE60]  }
0xb6: {  	v9 =	vld [tilespmem:s1+$0x170];
	[tilespmem:v14+s19+$0x0] =	vst.idx.msk $0xffff, v1  }
0xb7: {  	s16 =	simm.s32 $0xA00;
	s1 =	simm.s32 $0x8;
	[tilespmem:v15+s19+$0x0] =	vst.idx.msk $0xffff, v1;
	v10 =	vld [tilespmem:s0+$0x1F0]  }
.LBB2_4:
0xb8: {  	v12 =	vld [tilespmem:s16+$0x180];
	s1 =	sadd.s32 $0x8, s1;
	[tilespmem:v7+s19+$0x0] =	vst.idx.msk $0xffff, v1  }
0xb9: {  	v7 =	vld [tilespmem:s16+$0xFFFFFE80];
	p0 =	slt.u32 s1, $0x40;
	[tilespmem:v4+s19+$0x0] =	vst.idx.msk $0xffff, v1  }
0xba: {  	v4 =	vld [tilespmem:s16+$0xFFFFFF00];
	[tilespmem:v5+s19+$0x0] =	vst.idx.msk $0xffff, v1  }
0xbb: {  	v5 =	vld [tilespmem:s16+$0xFFFFFF80];
	[tilespmem:v6+s19+$0x0] =	vst.idx.msk $0xffff, v1  }
0xbc: {  	v6 =	vld [tilespmem:s16+$0x0];
	[tilespmem:v8+s19+$0x0] =	vst.idx.msk $0xffff, v1  }
0xbd: {  	v8 =	vld [tilespmem:s16+$0x80];
	[tilespmem:v11+s19+$0x0] =	vst.idx.msk $0xffff, v1  }
0xbe: {  	v11 =	vld [tilespmem:s16+$0x100];
	[tilespmem:v9+s19+$0x0] =	vst.idx.msk $0xffff, v1  }
0xbf: {  	v9 =	vld [tilespmem:s16+$0xFFFFFE00];
	[tilespmem:v10+s19+$0x0] =	vst.idx.msk $0xffff, v1  }
0xc0: {  	[tilespmem:v12+s19+$0x0] =	vst.idx.msk $0xffff, v1;
	v10 =	vld [tilespmem:s0+$0xFFFFFE70]  }
0xc1: {  	[tilespmem:v7+s19+$0x0] =	vst.idx.msk $0xffff, v1;
	v7 =	vld [tilespmem:s16+$0x190]  }
0xc2: {  	v12 =	vld [tilespmem:s16+$0xFFFFFE90];
	[tilespmem:v4+s19+$0x0] =	vst.idx.msk $0xffff, v1  }
0xc3: {  	v4 =	vld [tilespmem:s16+$0xFFFFFF10];
	[tilespmem:v5+s19+$0x0] =	vst.idx.msk $0xffff, v1  }
0xc4: {  	v5 =	vld [tilespmem:s16+$0xFFFFFF90];
	[tilespmem:v6+s19+$0x0] =	vst.idx.msk $0xffff, v1  }
0xc5: {  	v6 =	vld [tilespmem:s16+$0x10];
	[tilespmem:v8+s19+$0x0] =	vst.idx.msk $0xffff, v1  }
0xc6: {  	v8 =	vld [tilespmem:s16+$0x90];
	[tilespmem:v11+s19+$0x0] =	vst.idx.msk $0xffff, v1  }
0xc7: {  	[tilespmem:v9+s19+$0x0] =	vst.idx.msk $0xffff, v1;
	v9 =	vld [tilespmem:s16+$0x110]  }
0xc8: {  	v11 =	vld [tilespmem:s16+$0xFFFFFE10];
	[tilespmem:v10+s19+$0x0] =	vst.idx.msk $0xffff, v1  }
0xc9: {  	[tilespmem:v7+s19+$0x0] =	vst.idx.msk $0xffff, v1;
	v7 =	vld [tilespmem:s0+$0xFFFFFEF0]  }
0xca: {  	[tilespmem:v12+s19+$0x0] =	vst.idx.msk $0xffff, v1;
	v10 =	vld [tilespmem:s16+$0x1A0]  }
0xcb: {  	v12 =	vld [tilespmem:s16+$0xFFFFFEA0];
	[tilespmem:v4+s19+$0x0] =	vst.idx.msk $0xffff, v1  }
0xcc: {  	v4 =	vld [tilespmem:s16+$0xFFFFFF20];
	[tilespmem:v5+s19+$0x0] =	vst.idx.msk $0xffff, v1  }
0xcd: {  	v5 =	vld [tilespmem:s16+$0xFFFFFFA0];
	[tilespmem:v6+s19+$0x0] =	vst.idx.msk $0xffff, v1  }
0xce: {  	v6 =	vld [tilespmem:s16+$0x20];
	[tilespmem:v8+s19+$0x0] =	vst.idx.msk $0xffff, v1  }
0xcf: {  	v8 =	vld [tilespmem:s16+$0xA0];
	[tilespmem:v9+s19+$0x0] =	vst.idx.msk $0xffff, v1  }
0xd0: {  	[tilespmem:v11+s19+$0x0] =	vst.idx.msk $0xffff, v1;
	v9 =	vld [tilespmem:s16+$0x120]  }
0xd1: {  	v11 =	vld [tilespmem:s16+$0xFFFFFE20];
	[tilespmem:v7+s19+$0x0] =	vst.idx.msk $0xffff, v1  }
0xd2: {  	[tilespmem:v10+s19+$0x0] =	vst.idx.msk $0xffff, v1;
	v7 =	vld [tilespmem:s0+$0xFFFFFF70]  }
0xd3: {  	[tilespmem:v12+s19+$0x0] =	vst.idx.msk $0xffff, v1;
	v10 =	vld [tilespmem:s16+$0x1B0]  }
0xd4: {  	v12 =	vld [tilespmem:s16+$0xFFFFFEB0];
	[tilespmem:v4+s19+$0x0] =	vst.idx.msk $0xffff, v1  }
0xd5: {  	v4 =	vld [tilespmem:s16+$0xFFFFFF30];
	[tilespmem:v5+s19+$0x0] =	vst.idx.msk $0xffff, v1  }
0xd6: {  	v5 =	vld [tilespmem:s16+$0xFFFFFFB0];
	[tilespmem:v6+s19+$0x0] =	vst.idx.msk $0xffff, v1  }
0xd7: {  	v6 =	vld [tilespmem:s16+$0x30];
	[tilespmem:v8+s19+$0x0] =	vst.idx.msk $0xffff, v1  }
0xd8: {  	v8 =	vld [tilespmem:s16+$0xB0];
	[tilespmem:v9+s19+$0x0] =	vst.idx.msk $0xffff, v1  }
0xd9: {  	[tilespmem:v11+s19+$0x0] =	vst.idx.msk $0xffff, v1;
	v9 =	vld [tilespmem:s16+$0x130]  }
0xda: {  	v11 =	vld [tilespmem:s16+$0xFFFFFE30];
	[tilespmem:v7+s19+$0x0] =	vst.idx.msk $0xffff, v1  }
0xdb: {  	[tilespmem:v10+s19+$0x0] =	vst.idx.msk $0xffff, v1;
	v7 =	vld [tilespmem:s0+$0xFFFFFFF0]  }
0xdc: {  	[tilespmem:v12+s19+$0x0] =	vst.idx.msk $0xffff, v1;
	v10 =	vld [tilespmem:s16+$0x1C0]  }
0xdd: {  	v12 =	vld [tilespmem:s16+$0xFFFFFEC0];
	[tilespmem:v4+s19+$0x0] =	vst.idx.msk $0xffff, v1  }
0xde: {  	v4 =	vld [tilespmem:s16+$0xFFFFFF40];
	[tilespmem:v5+s19+$0x0] =	vst.idx.msk $0xffff, v1  }
0xdf: {  	v5 =	vld [tilespmem:s16+$0xFFFFFFC0];
	[tilespmem:v6+s19+$0x0] =	vst.idx.msk $0xffff, v1  }
0xe0: {  	v6 =	vld [tilespmem:s16+$0x40];
	[tilespmem:v8+s19+$0x0] =	vst.idx.msk $0xffff, v1  }
0xe1: {  	v8 =	vld [tilespmem:s16+$0xC0];
	[tilespmem:v9+s19+$0x0] =	vst.idx.msk $0xffff, v1  }
0xe2: {  	[tilespmem:v11+s19+$0x0] =	vst.idx.msk $0xffff, v1;
	v9 =	vld [tilespmem:s16+$0x140]  }
0xe3: {  	v11 =	vld [tilespmem:s16+$0xFFFFFE40];
	[tilespmem:v7+s19+$0x0] =	vst.idx.msk $0xffff, v1  }
0xe4: {  	[tilespmem:v10+s19+$0x0] =	vst.idx.msk $0xffff, v1;
	v7 =	vld [tilespmem:s0+$0x70]  }
0xe5: {  	[tilespmem:v12+s19+$0x0] =	vst.idx.msk $0xffff, v1;
	v10 =	vld [tilespmem:s16+$0x1D0]  }
0xe6: {  	v12 =	vld [tilespmem:s16+$0xFFFFFED0];
	[tilespmem:v4+s19+$0x0] =	vst.idx.msk $0xffff, v1  }
0xe7: {  	v4 =	vld [tilespmem:s16+$0xFFFFFF50];
	[tilespmem:v5+s19+$0x0] =	vst.idx.msk $0xffff, v1  }
0xe8: {  	v5 =	vld [tilespmem:s16+$0xFFFFFFD0];
	[tilespmem:v6+s19+$0x0] =	vst.idx.msk $0xffff, v1  }
0xe9: {  	v6 =	vld [tilespmem:s16+$0x50];
	[tilespmem:v8+s19+$0x0] =	vst.idx.msk $0xffff, v1  }
0xea: {  	v8 =	vld [tilespmem:s16+$0xD0];
	[tilespmem:v9+s19+$0x0] =	vst.idx.msk $0xffff, v1  }
0xeb: {  	[tilespmem:v11+s19+$0x0] =	vst.idx.msk $0xffff, v1;
	v9 =	vld [tilespmem:s16+$0x150]  }
0xec: {  	v11 =	vld [tilespmem:s16+$0xFFFFFE50];
	[tilespmem:v7+s19+$0x0] =	vst.idx.msk $0xffff, v1  }
0xed: {  	[tilespmem:v10+s19+$0x0] =	vst.idx.msk $0xffff, v1;
	v10 =	vld [tilespmem:s0+$0xF0]  }
0xee: {  	[tilespmem:v12+s19+$0x0] =	vst.idx.msk $0xffff, v1;
	v12 =	vld [tilespmem:s16+$0x1E0]  }
0xef: {  	v13 =	vld [tilespmem:s16+$0xFFFFFEE0];
	[tilespmem:v4+s19+$0x0] =	vst.idx.msk $0xffff, v1  }
0xf0: {  	v7 =	vld [tilespmem:s16+$0xFFFFFF60];
	[tilespmem:v5+s19+$0x0] =	vst.idx.msk $0xffff, v1  }
0xf1: {  	v4 =	vld [tilespmem:s16+$0xFFFFFFE0];
	[tilespmem:v6+s19+$0x0] =	vst.idx.msk $0xffff, v1  }
0xf2: {  	v5 =	vld [tilespmem:s16+$0x60];
	[tilespmem:v8+s19+$0x0] =	vst.idx.msk $0xffff, v1  }
.Ltmp3:
0xf3: {  	v6 =	vld [tilespmem:s16+$0xE0];
	[tilespmem:v9+s19+$0x0] =	vst.idx.msk $0xffff, v1;
	(pc) =	sbr.rel @p0 .LBB2_4-.Ltmp3, $4  }
0xf4: {  	[tilespmem:v11+s19+$0x0] =	vst.idx.msk $0xffff, v1;
	v8 =	vld [tilespmem:s16+$0x160]  }
0xf5: {  	v11 =	vld [tilespmem:s16+$0xFFFFFE60];
	[tilespmem:v10+s19+$0x0] =	vst.idx.msk $0xffff, v1  }
0xf6: {  	[tilespmem:v12+s19+$0x0] =	vst.idx.msk $0xffff, v1;
	v9 =	vld [tilespmem:s0+$0x170];
	s0 =	smov.u32 s16  }
0xf7: {  	s16 =	sadd.s32 $0x400, s16;
	[tilespmem:v13+s19+$0x0] =	vst.idx.msk $0xffff, v1;
	v10 =	vld [tilespmem:s0+$0x1F0]  }
0xf8: {  	_ =	sdelay $0x3  }
0xf9: {  	[tilespmem:v7+s19+$0x0] =	vst.idx.msk $0xffff, v1;
	v60 =	vld [tilespmem:s0+$0xFFFFFEF0]  }
0xfa: {  	[tilespmem:v4+s19+$0x0] =	vst.idx.msk $0xffff, v1;
	v4 =	vld [tilespmem:s0+$0xFFFFFF70]  }
0xfb: {  	[tilespmem:v5+s19+$0x0] =	vst.idx.msk $0xffff, v1;
	v5 =	vld [tilespmem:s0+$0xFFFFFFF0]  }
0xfc: {  	[tilespmem:v6+s19+$0x0] =	vst.idx.msk $0xffff, v1;
	v61 =	vld [tilespmem:s0+$0x70]  }
0xfd: {  	[tilespmem:v8+s19+$0x0] =	vst.idx.msk $0xffff, v1;
	v62 =	vld [tilespmem:s0+$0xF0]  }
0xfe: {  	[tilespmem:v11+s19+$0x0] =	vst.idx.msk $0xffff, v1;
	v63 =	vld [tilespmem:s0+$0x170]  }
0xff: {  	v11 =	vld [tilespmem:s0+$0xFFFFFE70];
	[tilespmem:v9+s19+$0x0] =	vst.idx.msk $0xffff, v1  }
0x100: {  	[tilespmem:v10+s19+$0x0] =	vst.idx.msk $0xffff, v1  }
0x101: {  	[tilespmem:v60+s19+$0x0] =	vst.idx.msk $0xffff, v1  }
0x102: {  	[tilespmem:v4+s19+$0x0] =	vst.idx.msk $0xffff, v1  }
0x103: {  	[tilespmem:v5+s19+$0x0] =	vst.idx.msk $0xffff, v1  }
0x104: {  	[tilespmem:v61+s19+$0x0] =	vst.idx.msk $0xffff, v1  }
0x105: {  	[tilespmem:v62+s19+$0x0] =	vst.idx.msk $0xffff, v1  }
0x106: {  	[tilespmem:v63+s19+$0x0] =	vst.idx.msk $0xffff, v1  }
0x107: {  	s0 =	simm.s32 $0x0;
	[tilespmem:v11+s19+$0x0] =	vst.idx.msk $0xffff, v1  }
.LBB2_6:
0x108: {  	s1 =	sshra.s32 s0, $0x2  }
0x109: {  	v4 =	vld [tilespmem:s1+$0x2400];
	_ =	sdelay $0x7  }
0x10a: {  	[tilespmem:v4+s19+$0x0] =	vst.idx.msk $0xffff, v1  }
0x10b: {  	v4 =	vld [tilespmem:s1+$0x2410];
	_ =	sdelay $0x7  }
0x10c: {  	[tilespmem:v4+s19+$0x0] =	vst.idx.msk $0xffff, v1  }
0x10d: {  	v4 =	vld [tilespmem:s1+$0x2420];
	_ =	sdelay $0x7  }
0x10e: {  	[tilespmem:v4+s19+$0x0] =	vst.idx.msk $0xffff, v1  }
0x10f: {  	v4 =	vld [tilespmem:s1+$0x2430];
	_ =	sdelay $0x7  }
0x110: {  	[tilespmem:v4+s19+$0x0] =	vst.idx.msk $0xffff, v1  }
0x111: {  	v4 =	vld [tilespmem:s1+$0x2440];
	_ =	sdelay $0x7  }
0x112: {  	[tilespmem:v4+s19+$0x0] =	vst.idx.msk $0xffff, v1  }
0x113: {  	v4 =	vld [tilespmem:s1+$0x2450];
	_ =	sdelay $0x7  }
0x114: {  	[tilespmem:v4+s19+$0x0] =	vst.idx.msk $0xffff, v1  }
0x115: {  	v4 =	vld [tilespmem:s1+$0x2460];
	_ =	sdelay $0x7  }
0x116: {  	[tilespmem:v4+s19+$0x0] =	vst.idx.msk $0xffff, v1  }
0x117: {  	v4 =	vld [tilespmem:s1+$0x2470];
	_ =	sdelay $0x2  }
0x118: {  	p0 =	sne.s32 s0, $0xA00  }
.Ltmp4:
0x119: {  	_ = 	snop;
	(pc) =	sbr.rel @p0 .LBB2_6-.Ltmp4, $2  }
0x11a: {  	_ =	sdelay $0x2  }
0x11b: {  	s0 =	sadd.s32 $0x200, s0;
	[tilespmem:v4+s19+$0x0] =	vst.idx.msk $0xffff, v1  }
0x11c: {  	_ =	swait.ge [sflag:s20], $0x2780  }
0x11d: {  	[sflag:s20] =	ssyncset.done $0x0  }
0x11e: {  	s1 =	simm.s32 $0x2AF0;
	[sflag:s20] =	ssyncadd.s32 $0xFFFFD880  }
0x11f: {  	v4 =	vld [tilespmem:s1+$0xFFFFFF90]  }
0x120: {  	v5 =	vld [tilespmem:s1+$0xFFFFFC90];
	_ =	sdelay $0x1  }
0x121: {  	v6 =	vld [tilespmem:s1+$0xFFFFFD10]  }
0x122: {  	v7 =	vld [tilespmem:s1+$0xFFFFFD90]  }
0x123: {  	v8 =	vld [tilespmem:s1+$0xFFFFFE10]  }
0x124: {  	v9 =	vld [tilespmem:s1+$0xFFFFFE90]  }
0x125: {  	v10 =	vld [tilespmem:s1+$0xFFFFFF10]  }
0x126: {  	v11 =	vld [tilespmem:s1+$0xFFFFFC10];
	[tilespmem:v4+s19+$0x0] =	vst.idx.msk $0xffff, v1  }
0x127: {  	[tilespmem:v5+s19+$0x0] =	vst.idx.msk $0xffff, v1;
	v4 =	vld [tilespmem:s1+$0xFFFFFFA0]  }
0x128: {  	v5 =	vld [tilespmem:s1+$0xFFFFFCA0]  }
0x129: {  	[tilespmem:v6+s19+$0x0] =	vst.idx.msk $0xffff, v1  }
0x12a: {  	[tilespmem:v7+s19+$0x0] =	vst.idx.msk $0xffff, v1;
	v6 =	vld [tilespmem:s1+$0xFFFFFD20]  }
0x12b: {  	[tilespmem:v8+s19+$0x0] =	vst.idx.msk $0xffff, v1;
	v7 =	vld [tilespmem:s1+$0xFFFFFDA0]  }
0x12c: {  	[tilespmem:v9+s19+$0x0] =	vst.idx.msk $0xffff, v1;
	v8 =	vld [tilespmem:s1+$0xFFFFFE20]  }
0x12d: {  	[tilespmem:v10+s19+$0x0] =	vst.idx.msk $0xffff, v1;
	v9 =	vld [tilespmem:s1+$0xFFFFFEA0]  }
0x12e: {  	[tilespmem:v11+s19+$0x0] =	vst.idx.msk $0xffff, v1;
	v10 =	vld [tilespmem:s1+$0xFFFFFF20]  }
0x12f: {  	v11 =	vld [tilespmem:s1+$0xFFFFFC20];
	[tilespmem:v4+s19+$0x0] =	vst.idx.msk $0xffff, v1  }
0x130: {  	[tilespmem:v5+s19+$0x0] =	vst.idx.msk $0xffff, v1;
	v4 =	vld [tilespmem:s1+$0xFFFFFFB0]  }
0x131: {  	v5 =	vld [tilespmem:s1+$0xFFFFFCB0]  }
0x132: {  	[tilespmem:v6+s19+$0x0] =	vst.idx.msk $0xffff, v1  }
0x133: {  	[tilespmem:v7+s19+$0x0] =	vst.idx.msk $0xffff, v1;
	v6 =	vld [tilespmem:s1+$0xFFFFFD30]  }
0x134: {  	[tilespmem:v8+s19+$0x0] =	vst.idx.msk $0xffff, v1;
	v7 =	vld [tilespmem:s1+$0xFFFFFDB0]  }
0x135: {  	[tilespmem:v9+s19+$0x0] =	vst.idx.msk $0xffff, v1;
	v8 =	vld [tilespmem:s1+$0xFFFFFE30]  }
0x136: {  	[tilespmem:v10+s19+$0x0] =	vst.idx.msk $0xffff, v1;
	v9 =	vld [tilespmem:s1+$0xFFFFFEB0]  }
0x137: {  	[tilespmem:v11+s19+$0x0] =	vst.idx.msk $0xffff, v1;
	v10 =	vld [tilespmem:s1+$0xFFFFFF30]  }
0x138: {  	v11 =	vld [tilespmem:s1+$0xFFFFFC30];
	[tilespmem:v4+s19+$0x0] =	vst.idx.msk $0xffff, v1  }
0x139: {  	[tilespmem:v5+s19+$0x0] =	vst.idx.msk $0xffff, v1;
	v4 =	vld [tilespmem:s1+$0xFFFFFFC0]  }
0x13a: {  	v5 =	vld [tilespmem:s1+$0xFFFFFCC0]  }
0x13b: {  	[tilespmem:v6+s19+$0x0] =	vst.idx.msk $0xffff, v1  }
0x13c: {  	[tilespmem:v7+s19+$0x0] =	vst.idx.msk $0xffff, v1;
	v6 =	vld [tilespmem:s1+$0xFFFFFD40]  }
0x13d: {  	[tilespmem:v8+s19+$0x0] =	vst.idx.msk $0xffff, v1;
	v7 =	vld [tilespmem:s1+$0xFFFFFDC0]  }
0x13e: {  	[tilespmem:v9+s19+$0x0] =	vst.idx.msk $0xffff, v1;
	v8 =	vld [tilespmem:s1+$0xFFFFFE40]  }
0x13f: {  	[tilespmem:v10+s19+$0x0] =	vst.idx.msk $0xffff, v1;
	v9 =	vld [tilespmem:s1+$0xFFFFFEC0]  }
0x140: {  	[tilespmem:v11+s19+$0x0] =	vst.idx.msk $0xffff, v1;
	v10 =	vld [tilespmem:s1+$0xFFFFFF40]  }
0x141: {  	v11 =	vld [tilespmem:s1+$0xFFFFFC40];
	[tilespmem:v4+s19+$0x0] =	vst.idx.msk $0xffff, v1  }
0x142: {  	[tilespmem:v5+s19+$0x0] =	vst.idx.msk $0xffff, v1;
	v4 =	vld [tilespmem:s1+$0xFFFFFFD0]  }
0x143: {  	v5 =	vld [tilespmem:s1+$0xFFFFFCD0]  }
0x144: {  	[tilespmem:v6+s19+$0x0] =	vst.idx.msk $0xffff, v1  }
0x145: {  	[tilespmem:v7+s19+$0x0] =	vst.idx.msk $0xffff, v1;
	v6 =	vld [tilespmem:s1+$0xFFFFFD50]  }
0x146: {  	[tilespmem:v8+s19+$0x0] =	vst.idx.msk $0xffff, v1;
	v7 =	vld [tilespmem:s1+$0xFFFFFDD0]  }
0x147: {  	[tilespmem:v9+s19+$0x0] =	vst.idx.msk $0xffff, v1;
	v8 =	vld [tilespmem:s1+$0xFFFFFE50]  }
0x148: {  	[tilespmem:v10+s19+$0x0] =	vst.idx.msk $0xffff, v1;
	v9 =	vld [tilespmem:s1+$0xFFFFFED0]  }
0x149: {  	[tilespmem:v11+s19+$0x0] =	vst.idx.msk $0xffff, v1;
	v10 =	vld [tilespmem:s1+$0xFFFFFF50]  }
0x14a: {  	v11 =	vld [tilespmem:s1+$0xFFFFFC50];
	[tilespmem:v4+s19+$0x0] =	vst.idx.msk $0xffff, v1  }
0x14b: {  	[tilespmem:v5+s19+$0x0] =	vst.idx.msk $0xffff, v1;
	v4 =	vld [tilespmem:s1+$0xFFFFFFE0]  }
0x14c: {  	v5 =	vld [tilespmem:s1+$0xFFFFFCE0]  }
0x14d: {  	[tilespmem:v6+s19+$0x0] =	vst.idx.msk $0xffff, v1  }
0x14e: {  	[tilespmem:v7+s19+$0x0] =	vst.idx.msk $0xffff, v1;
	v6 =	vld [tilespmem:s1+$0xFFFFFD60]  }
0x14f: {  	[tilespmem:v8+s19+$0x0] =	vst.idx.msk $0xffff, v1;
	v7 =	vld [tilespmem:s1+$0xFFFFFDE0]  }
0x150: {  	[tilespmem:v9+s19+$0x0] =	vst.idx.msk $0xffff, v1;
	v8 =	vld [tilespmem:s1+$0xFFFFFE60]  }
0x151: {  	[tilespmem:v10+s19+$0x0] =	vst.idx.msk $0xffff, v1;
	v9 =	vld [tilespmem:s1+$0xFFFFFEE0]  }
0x152: {  	[tilespmem:v11+s19+$0x0] =	vst.idx.msk $0xffff, v1;
	v10 =	vld [tilespmem:s1+$0xFFFFFF60]  }
0x153: {  	v11 =	vld [tilespmem:s1+$0xFFFFFC60];
	[tilespmem:v4+s19+$0x0] =	vst.idx.msk $0xffff, v1  }
0x154: {  	[tilespmem:v5+s19+$0x0] =	vst.idx.msk $0xffff, v1;
	v4 =	vld [tilespmem:s1+$0xFFFFFFF0]  }
0x155: {  	v5 =	vld [tilespmem:s1+$0xFFFFFCF0]  }
0x156: {  	[tilespmem:v6+s19+$0x0] =	vst.idx.msk $0xffff, v1  }
0x157: {  	[tilespmem:v7+s19+$0x0] =	vst.idx.msk $0xffff, v1;
	v6 =	vld [tilespmem:s1+$0xFFFFFD70]  }
0x158: {  	[tilespmem:v8+s19+$0x0] =	vst.idx.msk $0xffff, v1;
	v7 =	vld [tilespmem:s1+$0xFFFFFDF0]  }
0x159: {  	[tilespmem:v9+s19+$0x0] =	vst.idx.msk $0xffff, v1;
	v8 =	vld [tilespmem:s1+$0xFFFFFE70]  }
0x15a: {  	[tilespmem:v10+s19+$0x0] =	vst.idx.msk $0xffff, v1;
	v9 =	vld [tilespmem:s1+$0xFFFFFEF0]  }
0x15b: {  	[tilespmem:v11+s19+$0x0] =	vst.idx.msk $0xffff, v1;
	v10 =	vld [tilespmem:s1+$0xFFFFFF70]  }
0x15c: {  	s0 =	simm.s32 $0x2EF0;
	v11 =	vld [tilespmem:s1+$0xFFFFFC70];
	[tilespmem:v4+s19+$0x0] =	vst.idx.msk $0xffff, v1  }
0x15d: {  	[tilespmem:v5+s19+$0x0] =	vst.idx.msk $0xffff, v1;
	v5 =	vld [tilespmem:s0+$0xFFFFFF90]  }
0x15e: {  	v4 =	vld [tilespmem:s1+$0x0]  }
0x15f: {  	[tilespmem:v6+s19+$0x0] =	vst.idx.msk $0xffff, v1;
	v6 =	vld [tilespmem:s0+$0xFFFFFC90]  }
0x160: {  	[tilespmem:v7+s19+$0x0] =	vst.idx.msk $0xffff, v1;
	v7 =	vld [tilespmem:s0+$0xFFFFFD10]  }
0x161: {  	[tilespmem:v8+s19+$0x0] =	vst.idx.msk $0xffff, v1;
	v8 =	vld [tilespmem:s0+$0xFFFFFD90]  }
0x162: {  	[tilespmem:v9+s19+$0x0] =	vst.idx.msk $0xffff, v1;
	v9 =	vld [tilespmem:s0+$0xFFFFFE10]  }
0x163: {  	[tilespmem:v10+s19+$0x0] =	vst.idx.msk $0xffff, v1;
	v10 =	vld [tilespmem:s0+$0xFFFFFE90]  }
0x164: {  	[tilespmem:v11+s19+$0x0] =	vst.idx.msk $0xffff, v1;
	v11 =	vld [tilespmem:s0+$0xFFFFFF10]  }
0x165: {  	v12 =	vld [tilespmem:s0+$0xFFFFFC10];
	[tilespmem:v5+s19+$0x0] =	vst.idx.msk $0xffff, v1  }
0x166: {  	[tilespmem:v4+s19+$0x0] =	vst.idx.msk $0xffff, v1;
	v4 =	vld [tilespmem:s1+$0xFFFFFC80]  }
0x167: {  	[tilespmem:v6+s19+$0x0] =	vst.idx.msk $0xffff, v1;
	v5 =	vld [tilespmem:s0+$0xFFFFFFA0]  }
0x168: {  	[tilespmem:v7+s19+$0x0] =	vst.idx.msk $0xffff, v1;
	v6 =	vld [tilespmem:s0+$0xFFFFFCA0]  }
0x169: {  	[tilespmem:v8+s19+$0x0] =	vst.idx.msk $0xffff, v1;
	v7 =	vld [tilespmem:s0+$0xFFFFFD20]  }
0x16a: {  	[tilespmem:v9+s19+$0x0] =	vst.idx.msk $0xffff, v1;
	v8 =	vld [tilespmem:s0+$0xFFFFFDA0]  }
0x16b: {  	[tilespmem:v10+s19+$0x0] =	vst.idx.msk $0xffff, v1;
	v9 =	vld [tilespmem:s0+$0xFFFFFE20]  }
0x16c: {  	[tilespmem:v11+s19+$0x0] =	vst.idx.msk $0xffff, v1;
	v10 =	vld [tilespmem:s0+$0xFFFFFEA0]  }
0x16d: {  	[tilespmem:v12+s19+$0x0] =	vst.idx.msk $0xffff, v1;
	v11 =	vld [tilespmem:s0+$0xFFFFFF20]  }
0x16e: {  	v12 =	vld [tilespmem:s0+$0xFFFFFC20];
	[tilespmem:v4+s19+$0x0] =	vst.idx.msk $0xffff, v1  }
0x16f: {  	[tilespmem:v5+s19+$0x0] =	vst.idx.msk $0xffff, v1;
	v4 =	vld [tilespmem:s1+$0xFFFFFD00]  }
0x170: {  	[tilespmem:v6+s19+$0x0] =	vst.idx.msk $0xffff, v1;
	v5 =	vld [tilespmem:s0+$0xFFFFFFB0]  }
0x171: {  	[tilespmem:v7+s19+$0x0] =	vst.idx.msk $0xffff, v1;
	v6 =	vld [tilespmem:s0+$0xFFFFFCB0]  }
0x172: {  	[tilespmem:v8+s19+$0x0] =	vst.idx.msk $0xffff, v1;
	v7 =	vld [tilespmem:s0+$0xFFFFFD30]  }
0x173: {  	[tilespmem:v9+s19+$0x0] =	vst.idx.msk $0xffff, v1;
	v8 =	vld [tilespmem:s0+$0xFFFFFDB0]  }
0x174: {  	[tilespmem:v10+s19+$0x0] =	vst.idx.msk $0xffff, v1;
	v9 =	vld [tilespmem:s0+$0xFFFFFE30]  }
0x175: {  	[tilespmem:v11+s19+$0x0] =	vst.idx.msk $0xffff, v1;
	v10 =	vld [tilespmem:s0+$0xFFFFFEB0]  }
0x176: {  	[tilespmem:v12+s19+$0x0] =	vst.idx.msk $0xffff, v1;
	v11 =	vld [tilespmem:s0+$0xFFFFFF30]  }
0x177: {  	v12 =	vld [tilespmem:s0+$0xFFFFFC30];
	[tilespmem:v4+s19+$0x0] =	vst.idx.msk $0xffff, v1  }
0x178: {  	v4 =	vld [tilespmem:s1+$0xFFFFFD80];
	[tilespmem:v5+s19+$0x0] =	vst.idx.msk $0xffff, v1  }
0x179: {  	[tilespmem:v6+s19+$0x0] =	vst.idx.msk $0xffff, v1;
	v5 =	vld [tilespmem:s0+$0xFFFFFFC0]  }
0x17a: {  	[tilespmem:v7+s19+$0x0] =	vst.idx.msk $0xffff, v1;
	v6 =	vld [tilespmem:s0+$0xFFFFFCC0]  }
0x17b: {  	[tilespmem:v8+s19+$0x0] =	vst.idx.msk $0xffff, v1;
	v7 =	vld [tilespmem:s0+$0xFFFFFD40]  }
0x17c: {  	[tilespmem:v9+s19+$0x0] =	vst.idx.msk $0xffff, v1;
	v8 =	vld [tilespmem:s0+$0xFFFFFDC0]  }
0x17d: {  	[tilespmem:v10+s19+$0x0] =	vst.idx.msk $0xffff, v1;
	v9 =	vld [tilespmem:s0+$0xFFFFFE40]  }
0x17e: {  	[tilespmem:v11+s19+$0x0] =	vst.idx.msk $0xffff, v1;
	v10 =	vld [tilespmem:s0+$0xFFFFFEC0]  }
0x17f: {  	[tilespmem:v12+s19+$0x0] =	vst.idx.msk $0xffff, v1;
	v11 =	vld [tilespmem:s0+$0xFFFFFF40]  }
0x180: {  	v12 =	vld [tilespmem:s0+$0xFFFFFC40];
	[tilespmem:v4+s19+$0x0] =	vst.idx.msk $0xffff, v1  }
0x181: {  	v4 =	vld [tilespmem:s1+$0xFFFFFE00];
	[tilespmem:v5+s19+$0x0] =	vst.idx.msk $0xffff, v1  }
0x182: {  	[tilespmem:v6+s19+$0x0] =	vst.idx.msk $0xffff, v1;
	v5 =	vld [tilespmem:s0+$0xFFFFFFD0]  }
0x183: {  	[tilespmem:v7+s19+$0x0] =	vst.idx.msk $0xffff, v1;
	v6 =	vld [tilespmem:s0+$0xFFFFFCD0]  }
0x184: {  	[tilespmem:v8+s19+$0x0] =	vst.idx.msk $0xffff, v1;
	v7 =	vld [tilespmem:s0+$0xFFFFFD50]  }
0x185: {  	[tilespmem:v9+s19+$0x0] =	vst.idx.msk $0xffff, v1;
	v8 =	vld [tilespmem:s0+$0xFFFFFDD0]  }
0x186: {  	[tilespmem:v10+s19+$0x0] =	vst.idx.msk $0xffff, v1;
	v9 =	vld [tilespmem:s0+$0xFFFFFE50]  }
0x187: {  	[tilespmem:v11+s19+$0x0] =	vst.idx.msk $0xffff, v1;
	v10 =	vld [tilespmem:s0+$0xFFFFFED0]  }
0x188: {  	[tilespmem:v12+s19+$0x0] =	vst.idx.msk $0xffff, v1;
	v11 =	vld [tilespmem:s0+$0xFFFFFF50]  }
0x189: {  	v12 =	vld [tilespmem:s0+$0xFFFFFC50];
	[tilespmem:v4+s19+$0x0] =	vst.idx.msk $0xffff, v1  }
0x18a: {  	v4 =	vld [tilespmem:s1+$0xFFFFFE80];
	[tilespmem:v5+s19+$0x0] =	vst.idx.msk $0xffff, v1  }
0x18b: {  	[tilespmem:v6+s19+$0x0] =	vst.idx.msk $0xffff, v1;
	v5 =	vld [tilespmem:s0+$0xFFFFFFE0]  }
0x18c: {  	[tilespmem:v7+s19+$0x0] =	vst.idx.msk $0xffff, v1;
	v6 =	vld [tilespmem:s0+$0xFFFFFCE0]  }
0x18d: {  	[tilespmem:v8+s19+$0x0] =	vst.idx.msk $0xffff, v1;
	v7 =	vld [tilespmem:s0+$0xFFFFFD60]  }
0x18e: {  	[tilespmem:v9+s19+$0x0] =	vst.idx.msk $0xffff, v1;
	v8 =	vld [tilespmem:s0+$0xFFFFFDE0]  }
0x18f: {  	[tilespmem:v10+s19+$0x0] =	vst.idx.msk $0xffff, v1;
	v9 =	vld [tilespmem:s0+$0xFFFFFE60]  }
0x190: {  	[tilespmem:v11+s19+$0x0] =	vst.idx.msk $0xffff, v1;
	v10 =	vld [tilespmem:s0+$0xFFFFFEE0]  }
0x191: {  	[tilespmem:v12+s19+$0x0] =	vst.idx.msk $0xffff, v1;
	v11 =	vld [tilespmem:s0+$0xFFFFFF60]  }
0x192: {  	v12 =	vld [tilespmem:s0+$0xFFFFFC60];
	[tilespmem:v4+s19+$0x0] =	vst.idx.msk $0xffff, v1  }
0x193: {  	v13 =	vld [tilespmem:s1+$0xFFFFFF00];
	[tilespmem:v5+s19+$0x0] =	vst.idx.msk $0xffff, v1  }
0x194: {  	[tilespmem:v6+s19+$0x0] =	vst.idx.msk $0xffff, v1;
	v14 =	vld [tilespmem:s0+$0xFFFFFFF0]  }
0x195: {  	[tilespmem:v7+s19+$0x0] =	vst.idx.msk $0xffff, v1;
	v15 =	vld [tilespmem:s0+$0xFFFFFCF0]  }
0x196: {  	[tilespmem:v8+s19+$0x0] =	vst.idx.msk $0xffff, v1;
	v7 =	vld [tilespmem:s0+$0xFFFFFD70]  }
0x197: {  	[tilespmem:v9+s19+$0x0] =	vst.idx.msk $0xffff, v1;
	v4 =	vld [tilespmem:s0+$0xFFFFFDF0]  }
0x198: {  	[tilespmem:v10+s19+$0x0] =	vst.idx.msk $0xffff, v1;
	v5 =	vld [tilespmem:s0+$0xFFFFFE70]  }
0x199: {  	[tilespmem:v11+s19+$0x0] =	vst.idx.msk $0xffff, v1;
	v6 =	vld [tilespmem:s0+$0xFFFFFEF0]  }
0x19a: {  	[tilespmem:v12+s19+$0x0] =	vst.idx.msk $0xffff, v1;
	v8 =	vld [tilespmem:s0+$0xFFFFFF70]  }
0x19b: {  	[tilespmem:v13+s19+$0x0] =	vst.idx.msk $0xffff, v1;
	v11 =	vld [tilespmem:s0+$0xFFFFFC70]  }
0x19c: {  	v9 =	vld [tilespmem:s1+$0xFFFFFF80];
	[tilespmem:v14+s19+$0x0] =	vst.idx.msk $0xffff, v1  }
0x19d: {  	s16 =	simm.s32 $0x32F0;
	s1 =	simm.s32 $0x56;
	[tilespmem:v15+s19+$0x0] =	vst.idx.msk $0xffff, v1;
	v10 =	vld [tilespmem:s0+$0x0]  }
.LBB2_8:
0x19e: {  	v12 =	vld [tilespmem:s16+$0xFFFFFF90];
	s1 =	sadd.s32 $0x8, s1;
	[tilespmem:v7+s19+$0x0] =	vst.idx.msk $0xffff, v1  }
0x19f: {  	v7 =	vld [tilespmem:s16+$0xFFFFFC90];
	p0 =	slt.u32 s1, $0x8E;
	[tilespmem:v4+s19+$0x0] =	vst.idx.msk $0xffff, v1  }
0x1a0: {  	v4 =	vld [tilespmem:s16+$0xFFFFFD10];
	[tilespmem:v5+s19+$0x0] =	vst.idx.msk $0xffff, v1  }
0x1a1: {  	v5 =	vld [tilespmem:s16+$0xFFFFFD90];
	[tilespmem:v6+s19+$0x0] =	vst.idx.msk $0xffff, v1  }
0x1a2: {  	v6 =	vld [tilespmem:s16+$0xFFFFFE10];
	[tilespmem:v8+s19+$0x0] =	vst.idx.msk $0xffff, v1  }
0x1a3: {  	v8 =	vld [tilespmem:s16+$0xFFFFFE90];
	[tilespmem:v11+s19+$0x0] =	vst.idx.msk $0xffff, v1  }
0x1a4: {  	v11 =	vld [tilespmem:s16+$0xFFFFFF10];
	[tilespmem:v9+s19+$0x0] =	vst.idx.msk $0xffff, v1  }
0x1a5: {  	v9 =	vld [tilespmem:s16+$0xFFFFFC10];
	[tilespmem:v10+s19+$0x0] =	vst.idx.msk $0xffff, v1  }
0x1a6: {  	[tilespmem:v12+s19+$0x0] =	vst.idx.msk $0xffff, v1;
	v10 =	vld [tilespmem:s0+$0xFFFFFC80]  }
0x1a7: {  	[tilespmem:v7+s19+$0x0] =	vst.idx.msk $0xffff, v1;
	v7 =	vld [tilespmem:s16+$0xFFFFFFA0]  }
0x1a8: {  	v12 =	vld [tilespmem:s16+$0xFFFFFCA0];
	[tilespmem:v4+s19+$0x0] =	vst.idx.msk $0xffff, v1  }
0x1a9: {  	v4 =	vld [tilespmem:s16+$0xFFFFFD20];
	[tilespmem:v5+s19+$0x0] =	vst.idx.msk $0xffff, v1  }
0x1aa: {  	v5 =	vld [tilespmem:s16+$0xFFFFFDA0];
	[tilespmem:v6+s19+$0x0] =	vst.idx.msk $0xffff, v1  }
0x1ab: {  	v6 =	vld [tilespmem:s16+$0xFFFFFE20];
	[tilespmem:v8+s19+$0x0] =	vst.idx.msk $0xffff, v1  }
0x1ac: {  	v8 =	vld [tilespmem:s16+$0xFFFFFEA0];
	[tilespmem:v11+s19+$0x0] =	vst.idx.msk $0xffff, v1  }
0x1ad: {  	[tilespmem:v9+s19+$0x0] =	vst.idx.msk $0xffff, v1;
	v9 =	vld [tilespmem:s16+$0xFFFFFF20]  }
0x1ae: {  	v11 =	vld [tilespmem:s16+$0xFFFFFC20];
	[tilespmem:v10+s19+$0x0] =	vst.idx.msk $0xffff, v1  }
0x1af: {  	[tilespmem:v7+s19+$0x0] =	vst.idx.msk $0xffff, v1;
	v7 =	vld [tilespmem:s0+$0xFFFFFD00]  }
0x1b0: {  	[tilespmem:v12+s19+$0x0] =	vst.idx.msk $0xffff, v1;
	v10 =	vld [tilespmem:s16+$0xFFFFFFB0]  }
0x1b1: {  	v12 =	vld [tilespmem:s16+$0xFFFFFCB0];
	[tilespmem:v4+s19+$0x0] =	vst.idx.msk $0xffff, v1  }
0x1b2: {  	v4 =	vld [tilespmem:s16+$0xFFFFFD30];
	[tilespmem:v5+s19+$0x0] =	vst.idx.msk $0xffff, v1  }
0x1b3: {  	v5 =	vld [tilespmem:s16+$0xFFFFFDB0];
	[tilespmem:v6+s19+$0x0] =	vst.idx.msk $0xffff, v1  }
0x1b4: {  	v6 =	vld [tilespmem:s16+$0xFFFFFE30];
	[tilespmem:v8+s19+$0x0] =	vst.idx.msk $0xffff, v1  }
0x1b5: {  	v8 =	vld [tilespmem:s16+$0xFFFFFEB0];
	[tilespmem:v9+s19+$0x0] =	vst.idx.msk $0xffff, v1  }
0x1b6: {  	[tilespmem:v11+s19+$0x0] =	vst.idx.msk $0xffff, v1;
	v9 =	vld [tilespmem:s16+$0xFFFFFF30]  }
0x1b7: {  	v11 =	vld [tilespmem:s16+$0xFFFFFC30];
	[tilespmem:v7+s19+$0x0] =	vst.idx.msk $0xffff, v1  }
0x1b8: {  	[tilespmem:v10+s19+$0x0] =	vst.idx.msk $0xffff, v1;
	v7 =	vld [tilespmem:s0+$0xFFFFFD80]  }
0x1b9: {  	[tilespmem:v12+s19+$0x0] =	vst.idx.msk $0xffff, v1;
	v10 =	vld [tilespmem:s16+$0xFFFFFFC0]  }
0x1ba: {  	v12 =	vld [tilespmem:s16+$0xFFFFFCC0];
	[tilespmem:v4+s19+$0x0] =	vst.idx.msk $0xffff, v1  }
0x1bb: {  	v4 =	vld [tilespmem:s16+$0xFFFFFD40];
	[tilespmem:v5+s19+$0x0] =	vst.idx.msk $0xffff, v1  }
0x1bc: {  	v5 =	vld [tilespmem:s16+$0xFFFFFDC0];
	[tilespmem:v6+s19+$0x0] =	vst.idx.msk $0xffff, v1  }
0x1bd: {  	v6 =	vld [tilespmem:s16+$0xFFFFFE40];
	[tilespmem:v8+s19+$0x0] =	vst.idx.msk $0xffff, v1  }
0x1be: {  	v8 =	vld [tilespmem:s16+$0xFFFFFEC0];
	[tilespmem:v9+s19+$0x0] =	vst.idx.msk $0xffff, v1  }
0x1bf: {  	[tilespmem:v11+s19+$0x0] =	vst.idx.msk $0xffff, v1;
	v9 =	vld [tilespmem:s16+$0xFFFFFF40]  }
0x1c0: {  	v11 =	vld [tilespmem:s16+$0xFFFFFC40];
	[tilespmem:v7+s19+$0x0] =	vst.idx.msk $0xffff, v1  }
0x1c1: {  	[tilespmem:v10+s19+$0x0] =	vst.idx.msk $0xffff, v1;
	v7 =	vld [tilespmem:s0+$0xFFFFFE00]  }
0x1c2: {  	[tilespmem:v12+s19+$0x0] =	vst.idx.msk $0xffff, v1;
	v10 =	vld [tilespmem:s16+$0xFFFFFFD0]  }
0x1c3: {  	v12 =	vld [tilespmem:s16+$0xFFFFFCD0];
	[tilespmem:v4+s19+$0x0] =	vst.idx.msk $0xffff, v1  }
0x1c4: {  	v4 =	vld [tilespmem:s16+$0xFFFFFD50];
	[tilespmem:v5+s19+$0x0] =	vst.idx.msk $0xffff, v1  }
0x1c5: {  	v5 =	vld [tilespmem:s16+$0xFFFFFDD0];
	[tilespmem:v6+s19+$0x0] =	vst.idx.msk $0xffff, v1  }
0x1c6: {  	v6 =	vld [tilespmem:s16+$0xFFFFFE50];
	[tilespmem:v8+s19+$0x0] =	vst.idx.msk $0xffff, v1  }
0x1c7: {  	v8 =	vld [tilespmem:s16+$0xFFFFFED0];
	[tilespmem:v9+s19+$0x0] =	vst.idx.msk $0xffff, v1  }
0x1c8: {  	[tilespmem:v11+s19+$0x0] =	vst.idx.msk $0xffff, v1;
	v9 =	vld [tilespmem:s16+$0xFFFFFF50]  }
0x1c9: {  	v11 =	vld [tilespmem:s16+$0xFFFFFC50];
	[tilespmem:v7+s19+$0x0] =	vst.idx.msk $0xffff, v1  }
0x1ca: {  	[tilespmem:v10+s19+$0x0] =	vst.idx.msk $0xffff, v1;
	v7 =	vld [tilespmem:s0+$0xFFFFFE80]  }
0x1cb: {  	[tilespmem:v12+s19+$0x0] =	vst.idx.msk $0xffff, v1;
	v10 =	vld [tilespmem:s16+$0xFFFFFFE0]  }
0x1cc: {  	v12 =	vld [tilespmem:s16+$0xFFFFFCE0];
	[tilespmem:v4+s19+$0x0] =	vst.idx.msk $0xffff, v1  }
0x1cd: {  	v4 =	vld [tilespmem:s16+$0xFFFFFD60];
	[tilespmem:v5+s19+$0x0] =	vst.idx.msk $0xffff, v1  }
0x1ce: {  	v5 =	vld [tilespmem:s16+$0xFFFFFDE0];
	[tilespmem:v6+s19+$0x0] =	vst.idx.msk $0xffff, v1  }
0x1cf: {  	v6 =	vld [tilespmem:s16+$0xFFFFFE60];
	[tilespmem:v8+s19+$0x0] =	vst.idx.msk $0xffff, v1  }
0x1d0: {  	v8 =	vld [tilespmem:s16+$0xFFFFFEE0];
	[tilespmem:v9+s19+$0x0] =	vst.idx.msk $0xffff, v1  }
0x1d1: {  	[tilespmem:v11+s19+$0x0] =	vst.idx.msk $0xffff, v1;
	v9 =	vld [tilespmem:s16+$0xFFFFFF60]  }
0x1d2: {  	v11 =	vld [tilespmem:s16+$0xFFFFFC60];
	[tilespmem:v7+s19+$0x0] =	vst.idx.msk $0xffff, v1  }
0x1d3: {  	[tilespmem:v10+s19+$0x0] =	vst.idx.msk $0xffff, v1;
	v10 =	vld [tilespmem:s0+$0xFFFFFF00]  }
0x1d4: {  	[tilespmem:v12+s19+$0x0] =	vst.idx.msk $0xffff, v1;
	v12 =	vld [tilespmem:s16+$0xFFFFFFF0]  }
0x1d5: {  	v13 =	vld [tilespmem:s16+$0xFFFFFCF0];
	[tilespmem:v4+s19+$0x0] =	vst.idx.msk $0xffff, v1  }
0x1d6: {  	v7 =	vld [tilespmem:s16+$0xFFFFFD70];
	[tilespmem:v5+s19+$0x0] =	vst.idx.msk $0xffff, v1  }
0x1d7: {  	v4 =	vld [tilespmem:s16+$0xFFFFFDF0];
	[tilespmem:v6+s19+$0x0] =	vst.idx.msk $0xffff, v1  }
0x1d8: {  	v5 =	vld [tilespmem:s16+$0xFFFFFE70];
	[tilespmem:v8+s19+$0x0] =	vst.idx.msk $0xffff, v1  }
.Ltmp5:
0x1d9: {  	v6 =	vld [tilespmem:s16+$0xFFFFFEF0];
	[tilespmem:v9+s19+$0x0] =	vst.idx.msk $0xffff, v1;
	(pc) =	sbr.rel @p0 .LBB2_8-.Ltmp5, $4  }
0x1da: {  	[tilespmem:v11+s19+$0x0] =	vst.idx.msk $0xffff, v1;
	v8 =	vld [tilespmem:s16+$0xFFFFFF70]  }
0x1db: {  	v11 =	vld [tilespmem:s16+$0xFFFFFC70];
	[tilespmem:v10+s19+$0x0] =	vst.idx.msk $0xffff, v1  }
0x1dc: {  	[tilespmem:v12+s19+$0x0] =	vst.idx.msk $0xffff, v1;
	v9 =	vld [tilespmem:s0+$0xFFFFFF80];
	s0 =	smov.u32 s16  }
0x1dd: {  	s16 =	sadd.s32 $0x400, s16;
	[tilespmem:v13+s19+$0x0] =	vst.idx.msk $0xffff, v1;
	v10 =	vld [tilespmem:s0+$0x0]  }
0x1de: {  	_ =	sdelay $0x3  }
0x1df: {  	[tilespmem:v7+s19+$0x0] =	vst.idx.msk $0xffff, v1;
	v60 =	vld [tilespmem:s0+$0xFFFFFD00]  }
0x1e0: {  	[tilespmem:v4+s19+$0x0] =	vst.idx.msk $0xffff, v1;
	v4 =	vld [tilespmem:s0+$0xFFFFFD80]  }
0x1e1: {  	[tilespmem:v5+s19+$0x0] =	vst.idx.msk $0xffff, v1;
	v5 =	vld [tilespmem:s0+$0xFFFFFE00]  }
0x1e2: {  	[tilespmem:v6+s19+$0x0] =	vst.idx.msk $0xffff, v1;
	v61 =	vld [tilespmem:s0+$0xFFFFFE80]  }
0x1e3: {  	[tilespmem:v8+s19+$0x0] =	vst.idx.msk $0xffff, v1;
	v62 =	vld [tilespmem:s0+$0xFFFFFF00]  }
0x1e4: {  	[tilespmem:v11+s19+$0x0] =	vst.idx.msk $0xffff, v1;
	v63 =	vld [tilespmem:s0+$0xFFFFFF80]  }
0x1e5: {  	v11 =	vld [tilespmem:s0+$0xFFFFFC80];
	[tilespmem:v9+s19+$0x0] =	vst.idx.msk $0xffff, v1  }
0x1e6: {  	[tilespmem:v10+s19+$0x0] =	vst.idx.msk $0xffff, v1  }
0x1e7: {  	[tilespmem:v60+s19+$0x0] =	vst.idx.msk $0xffff, v1  }
0x1e8: {  	[tilespmem:v4+s19+$0x0] =	vst.idx.msk $0xffff, v1  }
0x1e9: {  	[tilespmem:v5+s19+$0x0] =	vst.idx.msk $0xffff, v1  }
0x1ea: {  	[tilespmem:v61+s19+$0x0] =	vst.idx.msk $0xffff, v1  }
0x1eb: {  	[tilespmem:v62+s19+$0x0] =	vst.idx.msk $0xffff, v1  }
0x1ec: {  	[tilespmem:v63+s19+$0x0] =	vst.idx.msk $0xffff, v1  }
0x1ed: {  	s0 =	simm.s32 $0x0;
	[tilespmem:v11+s19+$0x0] =	vst.idx.msk $0xffff, v1  }
.LBB2_10:
0x1ee: {  	s1 =	sshra.s32 s0, $0x2  }
0x1ef: {  	v4 =	vld [tilespmem:s1+$0x4B00];
	_ =	sdelay $0x7  }
0x1f0: {  	[tilespmem:v4+s19+$0x0] =	vst.idx.msk $0xffff, v1  }
0x1f1: {  	v4 =	vld [tilespmem:s1+$0x4B10];
	_ =	sdelay $0x7  }
0x1f2: {  	[tilespmem:v4+s19+$0x0] =	vst.idx.msk $0xffff, v1  }
0x1f3: {  	v4 =	vld [tilespmem:s1+$0x4B20];
	_ =	sdelay $0x7  }
0x1f4: {  	[tilespmem:v4+s19+$0x0] =	vst.idx.msk $0xffff, v1  }
0x1f5: {  	v4 =	vld [tilespmem:s1+$0x4B30];
	_ =	sdelay $0x7  }
0x1f6: {  	[tilespmem:v4+s19+$0x0] =	vst.idx.msk $0xffff, v1  }
0x1f7: {  	v4 =	vld [tilespmem:s1+$0x4B40];
	_ =	sdelay $0x7  }
0x1f8: {  	[tilespmem:v4+s19+$0x0] =	vst.idx.msk $0xffff, v1  }
0x1f9: {  	v4 =	vld [tilespmem:s1+$0x4B50];
	_ =	sdelay $0x7  }
0x1fa: {  	[tilespmem:v4+s19+$0x0] =	vst.idx.msk $0xffff, v1  }
0x1fb: {  	v4 =	vld [tilespmem:s1+$0x4B60];
	_ =	sdelay $0x7  }
0x1fc: {  	[tilespmem:v4+s19+$0x0] =	vst.idx.msk $0xffff, v1  }
0x1fd: {  	v4 =	vld [tilespmem:s1+$0x4B70];
	_ =	sdelay $0x2  }
0x1fe: {  	p0 =	sne.s32 s0, $0xC00  }
.Ltmp6:
0x1ff: {  	_ = 	snop;
	(pc) =	sbr.rel @p0 .LBB2_10-.Ltmp6, $2  }
0x200: {  	_ =	sdelay $0x2  }
0x201: {  	s0 =	sadd.s32 $0x200, s0;
	[tilespmem:v4+s19+$0x0] =	vst.idx.msk $0xffff, v1  }
0x202: {  	[spmem:s6] =	stream.linear.scatter [tilespmem:s7], [sflag:$0x4], $0x1400, $0x38;
	[tilespmem:$0x13FC0] =	vst v63  }
0x203: {  	_ =	swait.ge [sflag:s21], $0x1400  }
0x204: {  	[sflag:s21] =	ssyncset.done $0x0  }
0x205: {  	s0 =	simm.s32 $0x140;
	[sflag:s21] =	ssyncadd.s32 $0xFFFFEC00  }
0x206: {  	s1 =	simm.s32 $0x1400;
	s16 =	simm.s32 $0x8A80;
	[bflag:$0x0] =	sbarrier.arrive $0xFFFF  }
0x207: {  	[tilespmem:s16], [sflag:$0x4] =	stream.strided.gather [spmem:s8], $0x1400, s1, s0, $0x38;
	[tilespmem:$0x13FC0] =	vst v63  }
0x208: {  	_ =	swait.ge [sflag:s21], $0x1400  }
0x209: {  	[sflag:s21] =	ssyncset.done $0x0  }
0x20a: {  	s28 =	simm.s32 $0x9480;
	[sflag:s21] =	ssyncadd.s32 $0xFFFFEC00  }
0x20b: {  	v4 =	vld [tilespmem:s28+$0xFFFFF630]  }
0x20c: {  	v5 =	vld [tilespmem:s28+$0xFFFFF770]  }
0x20d: {  	v6 =	vld [tilespmem:s28+$0xFFFFF740]  }
0x20e: {  	v7 =	vld [tilespmem:s28+$0xFFFFF8B0]  }
0x20f: {  	v8 =	vld [tilespmem:s28+$0xFFFFF610]  }
0x210: {  	v9 =	vld [tilespmem:s28+$0xFFFFF9F0]  }
0x211: {  	v10 =	vld [tilespmem:s28+$0xFFFFF750]  }
0x212: {  	v11 =	vld [tilespmem:s28+$0xFFFFFB30]  }
0x213: {  	v12 =	vld [tilespmem:s28+$0xFFFFF620]  }
0x214: {  	v13 =	vld [tilespmem:s28+$0xFFFFFC70]  }
0x215: {  	v14 =	vld [tilespmem:s28+$0xFFFFF760]  }
0x216: {  	v15 =	vld [tilespmem:s28+$0xFFFFFDB0]  }
0x217: {  	v16 =	vld [tilespmem:s28+$0xFFFFF600]  }
0x218: {  	v17 =	vld [tilespmem:s28+$0xFFFFFEF0]  }
0x219: {  	v18 =	vld [tilespmem:s28+$0xFFFFF880]  }
0x21a: {  	v19 =	vld [tilespmem:s28+$0x30]  }
0x21b: {  	v20 =	vld [tilespmem:s28+$0xFFFFF890]  }
0x21c: {  	v21 =	vld [tilespmem:s28+$0x170]  }
0x21d: {  	v22 =	vld [tilespmem:s28+$0xFFFFF8A0]  }
0x21e: {  	v23 =	vld [tilespmem:s28+$0x2B0]  }
0x21f: {  	v24 =	vld [tilespmem:s28+$0xFFFFF9C0]  }
0x220: {  	v25 =	vld [tilespmem:s28+$0x3F0]  }
0x221: {  	v26 =	vld [tilespmem:s28+$0xFFFFF9D0]  }
0x222: {  	v27 =	vld [tilespmem:s28+$0x530]  }
0x223: {  	v28 =	vld [tilespmem:s28+$0xFFFFF9E0]  }
0x224: {  	v29 =	vld [tilespmem:s28+$0x670]  }
0x225: {  	v30 =	vld [tilespmem:s28+$0xFFFFFB00]  }
0x226: {  	v31 =	vld [tilespmem:s28+$0x7B0]  }
0x227: {  	v32 =	vld [tilespmem:s28+$0xFFFFFB10]  }
0x228: {  	v33 =	vld [tilespmem:s28+$0x8F0]  }
0x229: {  	v34 =	vld [tilespmem:s28+$0xFFFFFC40]  }
0x22a: {  	v35 =	vld [tilespmem:s28+$0xFFFFFC60];
	v4 =	vadd.f32 v5, v4  }
0x22b: {  	v36 =	vld [tilespmem:s28+$0xFFFFFD90]  }
0x22c: {  	v50 =	vld [tilespmem:s28+$0xFFFFFEC0];
	v4 =	vadd.f32 v7, v4  }
0x22d: {  	v51 =	vld [tilespmem:s28+$0xFFFFFEE0]  }
0x22e: {  	v52 =	vld [tilespmem:s28+$0x0];
	v4 =	vadd.f32 v9, v4  }
0x22f: {  	v53 =	vld [tilespmem:s28+$0x10]  }
0x230: {  	v54 =	vld [tilespmem:s28+$0x20];
	v6 =	vadd.f32 v6, v16;
	v4 =	vadd.f32 v11, v4  }
0x231: {  	v55 =	vld [tilespmem:s28+$0x140];
	v8 =	vadd.f32 v10, v8;
	v12 =	vadd.f32 v14, v12  }
0x232: {  	v5 =	vld [tilespmem:s28+$0xFFFFFB20];
	v6 =	vadd.f32 v18, v6;
	v4 =	vadd.f32 v13, v4  }
0x233: {  	v56 =	vld [tilespmem:s28+$0x150];
	v8 =	vadd.f32 v20, v8;
	v12 =	vadd.f32 v22, v12  }
0x234: {  	v7 =	vld [tilespmem:s28+$0xFFFFFC50];
	v6 =	vadd.f32 v24, v6;
	v4 =	vadd.f32 v15, v4  }
0x235: {  	v9 =	vld [tilespmem:s28+$0xFFFFFD80];
	v8 =	vadd.f32 v26, v8;
	v12 =	vadd.f32 v28, v12  }
0x236: {  	v11 =	vld [tilespmem:s28+$0xFFFFFDA0];
	v6 =	vadd.f32 v30, v6;
	v4 =	vadd.f32 v17, v4  }
0x237: {  	v57 =	vld [tilespmem:s28+$0x160];
	v8 =	vadd.f32 v32, v8;
	v5 =	vadd.f32 v5, v12  }
0x238: {  	v10 =	vld [tilespmem:s28+$0xFFFFFED0];
	v6 =	vadd.f32 v34, v6;
	v4 =	vadd.f32 v19, v4  }
0x239: {  	v58 =	vld [tilespmem:s28+$0x2A0];
	v7 =	vadd.f32 v7, v8;
	v5 =	vadd.f32 v35, v5  }
0x23a: {  	v59 =	vld [tilespmem:s28+$0x3E0];
	v6 =	vadd.f32 v9, v6;
	v4 =	vadd.f32 v21, v4  }
0x23b: {  	v60 =	vld [tilespmem:s28+$0x500];
	v7 =	vadd.f32 v36, v7;
	v5 =	vadd.f32 v11, v5  }
0x23c: {  	v61 =	vld [tilespmem:s28+$0x510];
	v6 =	vadd.f32 v50, v6;
	v4 =	vadd.f32 v23, v4  }
0x23d: {  	v8 =	vld [tilespmem:s28+$0x280];
	v7 =	vadd.f32 v10, v7;
	v5 =	vadd.f32 v51, v5  }
0x23e: {  	v9 =	vld [tilespmem:s28+$0x290];
	v6 =	vadd.f32 v52, v6;
	v4 =	vadd.f32 v25, v4  }
0x23f: {  	v11 =	vld [tilespmem:s28+$0x3C0];
	v7 =	vadd.f32 v53, v7;
	v5 =	vadd.f32 v54, v5  }
0x240: {  	v10 =	vld [tilespmem:s28+$0x3D0];
	v6 =	vadd.f32 v55, v6;
	v4 =	vadd.f32 v27, v4  }
0x241: {  	v62 =	vld [tilespmem:s28+$0x520];
	v7 =	vadd.f32 v56, v7;
	v5 =	vadd.f32 v57, v5  }
0x242: {  	v6 =	vadd.f32 v8, v6;
	v8 =	vld [tilespmem:s28+$0x640];
	v4 =	vadd.f32 v29, v4  }
0x243: {  	v7 =	vadd.f32 v9, v7;
	v9 =	vld [tilespmem:s28+$0x650];
	v5 =	vadd.f32 v58, v5  }
0x244: {  	v6 =	vadd.f32 v11, v6;
	v11 =	vld [tilespmem:s28+$0x660];
	v4 =	vadd.f32 v31, v4  }
0x245: {  	v7 =	vadd.f32 v10, v7;
	v10 =	vld [tilespmem:s28+$0x780];
	v13 =	vadd.f32 v59, v5  }
0x246: {  	v6 =	vadd.f32 v60, v6;
	v63 =	vadd.f32 v33, v4;
	v4 =	vld [tilespmem:s28+$0x790]  }
0x247: {  	v5 =	vld [tilespmem:s28+$0x7A0];
	v7 =	vadd.f32 v61, v7  }
0x248: {  	v13 =	vadd.f32 v62, v13;
	v8 =	vadd.f32 v8, v6;
	v6 =	vld [tilespmem:s28+$0x8C0];
	vm0 =	vgt.f32 v63, $0.0e+00  }
0x249: {  	s0 =	simm.s32 $0x9EA0;
	v9 =	vadd.f32 v9, v7;
	v7 =	vld [tilespmem:s28+$0x8D0];
	v12 =	vsel vm0, $0x3F800000, v2  }
0x24a: {  	s1 =	simm.s32 $0x0;
	s16 =	simm.s32 $0x94C0;
	v11 =	vadd.f32 v11, v13;
	v10 =	vadd.f32 v10, v8;
	v8 =	vld [tilespmem:s28+$0x8E0];
	[tilespmem:s0+$0x10] =	vst v12  }
.LBB2_12:
0x24b: {  	v12 =	vld [tilespmem:s16+$0xFFFFF630];
	v4 =	vadd.f32 v4, v9  }
0x24c: {  	s1 =	sadd.s32 $0x4, s1;
	v9 =	vld [tilespmem:s16+$0xFFFFF770];
	v5 =	vadd.f32 v5, v11  }
0x24d: {  	p0 =	slt.u32 s1, $0x10;
	v11 =	vld [tilespmem:s16+$0xFFFFF740];
	v6 =	vadd.f32 v6, v10  }
0x24e: {  	v10 =	vld [tilespmem:s16+$0xFFFFF8B0];
	v4 =	vadd.f32 v7, v4  }
0x24f: {  	v7 =	vld [tilespmem:s16+$0xFFFFF610];
	vm0 =	vgt.f32 v6, $0.0e+00;
	v5 =	vadd.f32 v8, v5  }
0x250: {  	v6 =	vld [tilespmem:s16+$0xFFFFF9F0];
	v8 =	vsel vm0, $0x3F800000, v2;
	vm0 =	vgt.f32 v4, $0.0e+00  }
0x251: {  	v4 =	vld [tilespmem:s16+$0xFFFFF750];
	v9 =	vadd.f32 v9, v12;
	[tilespmem:s0+$0xFFFFFFE0] =	vst v8;
	v8 =	vsel vm0, $0x3F800000, v2;
	vm0 =	vgt.f32 v5, $0.0e+00  }
0x252: {  	v5 =	vld [tilespmem:s16+$0xFFFFFB30];
	[tilespmem:s0+$0xFFFFFFF0] =	vst v8;
	v8 =	vsel vm0, $0x3F800000, v2  }
0x253: {  	v12 =	vld [tilespmem:s16+$0xFFFFF620];
	v9 =	vadd.f32 v10, v9;
	[tilespmem:s0+$0x0] =	vst v8  }
0x254: {  	v8 =	vld [tilespmem:s16+$0xFFFFFC70]  }
0x255: {  	v10 =	vld [tilespmem:s16+$0xFFFFF760];
	v6 =	vadd.f32 v6, v9  }
0x256: {  	v4 =	vadd.f32 v4, v7;
	v7 =	vld [tilespmem:s16+$0xFFFFFDB0]  }
0x257: {  	v9 =	vld [tilespmem:s16+$0xFFFFF600];
	v5 =	vadd.f32 v5, v6  }
0x258: {  	v6 =	vld [tilespmem:s16+$0xFFFFFEF0]  }
0x259: {  	v13 =	vld [tilespmem:s16+$0xFFFFF880];
	v5 =	vadd.f32 v8, v5  }
0x25a: {  	v8 =	vadd.f32 v10, v12;
	v10 =	vld [tilespmem:s16+$0x30]  }
0x25b: {  	v12 =	vld [tilespmem:s16+$0xFFFFF890];
	v5 =	vadd.f32 v7, v5  }
0x25c: {  	v7 =	vadd.f32 v11, v9;
	v9 =	vld [tilespmem:s16+$0x170]  }
0x25d: {  	v11 =	vld [tilespmem:s16+$0xFFFFF8A0];
	v5 =	vadd.f32 v6, v5  }
0x25e: {  	v6 =	vadd.f32 v13, v7;
	v7 =	vld [tilespmem:s16+$0x2B0]  }
0x25f: {  	v13 =	vld [tilespmem:s16+$0xFFFFF9C0];
	v5 =	vadd.f32 v10, v5  }
0x260: {  	v4 =	vadd.f32 v12, v4;
	v10 =	vld [tilespmem:s16+$0x3F0]  }
0x261: {  	v12 =	vld [tilespmem:s16+$0xFFFFF9D0];
	v5 =	vadd.f32 v9, v5  }
0x262: {  	v8 =	vadd.f32 v11, v8;
	v9 =	vld [tilespmem:s16+$0x530]  }
0x263: {  	v11 =	vld [tilespmem:s16+$0xFFFFF9E0];
	v5 =	vadd.f32 v7, v5  }
0x264: {  	v6 =	vadd.f32 v13, v6;
	v7 =	vld [tilespmem:s16+$0x670]  }
0x265: {  	v13 =	vld [tilespmem:s16+$0xFFFFFB00];
	v5 =	vadd.f32 v10, v5  }
0x266: {  	v4 =	vadd.f32 v12, v4;
	v10 =	vld [tilespmem:s16+$0x7B0]  }
0x267: {  	v12 =	vld [tilespmem:s16+$0xFFFFFB10];
	v5 =	vadd.f32 v9, v5  }
0x268: {  	v8 =	vadd.f32 v11, v8;
	v9 =	vld [tilespmem:s16+$0x8F0]  }
0x269: {  	v11 =	vld [tilespmem:s16+$0xFFFFFB20];
	v5 =	vadd.f32 v7, v5  }
0x26a: {  	v6 =	vadd.f32 v13, v6;
	v7 =	vld [tilespmem:s16+$0xFFFFFC40]  }
0x26b: {  	v13 =	vld [tilespmem:s16+$0xFFFFFC50];
	v5 =	vadd.f32 v10, v5  }
0x26c: {  	v4 =	vadd.f32 v12, v4;
	v10 =	vld [tilespmem:s16+$0xFFFFFC60]  }
0x26d: {  	v12 =	vld [tilespmem:s16+$0xFFFFFD80];
	v5 =	vadd.f32 v9, v5  }
0x26e: {  	v9 =	vld [tilespmem:s16+$0xFFFFFD90];
	v8 =	vadd.f32 v11, v8  }
0x26f: {  	v6 =	vadd.f32 v7, v6;
	v7 =	vld [tilespmem:s16+$0xFFFFFDA0];
	vm0 =	vgt.f32 v5, $0.0e+00  }
0x270: {  	s0 =	sadd.s32 $0x40, s0;
	v5 =	vld [tilespmem:s16+$0xFFFFFEC0];
	v4 =	vadd.f32 v13, v4;
	v11 =	vsel vm0, $0x3F800000, v2  }
0x271: {  	v13 =	vld [tilespmem:s16+$0xFFFFFED0];
	v8 =	vadd.f32 v10, v8;
	[tilespmem:s0+$0x10] =	vst v11  }
0x272: {  	v6 =	vadd.f32 v12, v6;
	v10 =	vld [tilespmem:s16+$0xFFFFFEE0]  }
0x273: {  	v11 =	vld [tilespmem:s16+$0x0];
	v4 =	vadd.f32 v9, v4  }
0x274: {  	v9 =	vld [tilespmem:s16+$0x10];
	v7 =	vadd.f32 v7, v8  }
0x275: {  	v5 =	vadd.f32 v5, v6;
	v6 =	vld [tilespmem:s16+$0x20]  }
0x276: {  	v8 =	vld [tilespmem:s16+$0x140];
	v4 =	vadd.f32 v13, v4  }
0x277: {  	v12 =	vld [tilespmem:s16+$0x150];
	v7 =	vadd.f32 v10, v7  }
0x278: {  	v5 =	vadd.f32 v11, v5;
	v10 =	vld [tilespmem:s16+$0x160]  }
0x279: {  	v11 =	vld [tilespmem:s16+$0x280];
	v4 =	vadd.f32 v9, v4  }
0x27a: {  	v9 =	vld [tilespmem:s16+$0x290];
	v6 =	vadd.f32 v6, v7  }
0x27b: {  	v5 =	vadd.f32 v8, v5;
	v7 =	vld [tilespmem:s16+$0x2A0]  }
0x27c: {  	v8 =	vld [tilespmem:s16+$0x3C0];
	v4 =	vadd.f32 v12, v4  }
0x27d: {  	v12 =	vld [tilespmem:s16+$0x3D0];
	v6 =	vadd.f32 v10, v6  }
0x27e: {  	v5 =	vadd.f32 v11, v5;
	v10 =	vld [tilespmem:s16+$0x3E0]  }
0x27f: {  	v11 =	vld [tilespmem:s16+$0x500];
	v4 =	vadd.f32 v9, v4  }
0x280: {  	v9 =	vld [tilespmem:s16+$0x510];
	v6 =	vadd.f32 v7, v6  }
0x281: {  	v5 =	vadd.f32 v8, v5;
	v7 =	vld [tilespmem:s16+$0x520]  }
0x282: {  	v8 =	vld [tilespmem:s16+$0x640];
	v4 =	vadd.f32 v12, v4  }
0x283: {  	v12 =	vld [tilespmem:s16+$0x650];
	v6 =	vadd.f32 v10, v6  }
0x284: {  	v5 =	vadd.f32 v11, v5;
	v10 =	vld [tilespmem:s16+$0x660]  }
0x285: {  	v13 =	vld [tilespmem:s16+$0x780];
	v9 =	vadd.f32 v9, v4  }
.Ltmp7:
0x286: {  	v4 =	vld [tilespmem:s16+$0x790];
	v11 =	vadd.f32 v7, v6;
	(pc) =	sbr.rel @p0 .LBB2_12-.Ltmp7, $4  }
0x287: {  	v8 =	vadd.f32 v8, v5;
	v5 =	vld [tilespmem:s16+$0x7A0]  }
0x288: {  	v6 =	vld [tilespmem:s16+$0x8C0];
	v9 =	vadd.f32 v12, v9  }
0x289: {  	v7 =	vld [tilespmem:s16+$0x8D0];
	v11 =	vadd.f32 v10, v11  }
0x28a: {  	v10 =	vadd.f32 v13, v8;
	v8 =	vld [tilespmem:s16+$0x8E0];
	s16 =	sadd.s32 $0x40, s16  }
0x28b: {  	_ = 	snop  }
0x28c: {  	v4 =	vadd.f32 v4, v9  }
0x28d: {  	v5 =	vadd.f32 v5, v11;
	v6 =	vadd.f32 v6, v10  }
0x28e: {  	v4 =	vadd.f32 v7, v4  }
0x28f: {  	vm0 =	vgt.f32 v6, $0.0e+00;
	v5 =	vadd.f32 v8, v5  }
0x290: {  	v6 =	vsel vm0, $0x3F800000, v2;
	vm14 =	vgt.f32 v4, $0.0e+00  }
0x291: {  	[tilespmem:s0+$0xFFFFFFE0] =	vst v6;
	v4 =	vsel vm14, $0x3F800000, v2;
	vm15 =	vgt.f32 v5, $0.0e+00  }
.Ltmp8:
0x292: {  	[tilespmem:s0+$0xFFFFFFF0] =	vst v4;
	v4 =	vsel vm15, $0x3F800000, v2;
	(pc) =	sbr.rel .LBB2_14-.Ltmp8, $4  }
0x293: {  	[tilespmem:s0+$0x0] =	vst v4  }
0x294: {  	_ =	swait.ge [sflag:s25], $0xA000  }
0x295: {  	s1 =	simm.s32 $0xA000;
	[sflag:s25] =	ssyncset.done $0x0  }
0x296: {  	s16 =	simm.s32 $0x0;
	s0 =	simm.s32 $0x0;
	[sflag:s25] =	ssyncadd.s32 $0xFFFF6000  }
.LBB2_18:
0x297: {  	s16 =	sadd.s32 $0x1, s16  }
0x298: {  	p0 =	sne.s32 s16, $0x5  }
.Ltmp9:
0x299: {  	_ = 	snop;
	(pc) =	sbr.rel @!p0 .LBB2_19-.Ltmp9, $2  }
0x29a: {  	_ =	sdelay $0x2  }
0x29b: {  	s0 =	sadd.s32 $0x10, s0;
	s1 =	sadd.s32 $0x800, s1  }
.LBB2_14:
0x29c: {  	s22 =	sshll.u32 s16, $0x4  }
0x29d: {  	v4 =	vld [tilespmem:s22+$0x9E80];
	_ =	sdelay $0x4  }
0x29e: {  	vm0 =	vlt.f32 v4, $1.000000000e+00  }
0x29f: {  	v4 =	vsel vm0, $0x1, v3  }
0x2a0: {  	v4 =	vor.u32 $0x80000000, v4  }
0x2a1: {  	(xrf0) =	vmax.scan.msk.u32 $0xffff, v4;
	_ =	sdelay $0x5  }
0x2a2: {  	v4, _, _ =	vpop (xrf0)  }
0x2a3: {  	(v2sf) =	vpush v4, $0xF;
	_ =	sdelay $0xe  }
0x2a4: {  	s28 =	spop (v2sf)  }
0x2a5: {  	p0 =	slt.u32 s28, $0x80000001  }
.Ltmp10:
0x2a6: {  	_ = 	snop;
	(pc) =	sbr.rel @p0 .LBB2_18-.Ltmp10, $1  }
0x2a7: {  	_ =	sdelay $0x3  }
0x2a8: {  	s22 =	sadd.s32 $0x0, s0  }
0x2a9: {  	v4 =	vmov s22;
	_ =	sdelay $0x1  }
0x2aa: {  	v8 =	vld [tilespmem:s1+$0x30]  }
0x2ab: {  	v11 =	vld [tilespmem:s1+$0x10]  }
0x2ac: {  	v9 =	vld [tilespmem:s1+$0xFFFFFFC0]  }
0x2ad: {  	v5 =	vld.idx.msk [tilespmem:v4+s26+$0x0], $0xffff  }
0x2ae: {  	v13 =	vld [tilespmem:s1+$0xFFFFFFE0]  }
0x2af: {  	v6 =	vld [tilespmem:s1+$0x20]  }
0x2b0: {  	v7 =	vld [tilespmem:s1+$0xFFFFFFD0]  }
0x2b1: {  	v4 =	vld [tilespmem:s1+$0xFFFFFFF0]  }
0x2b2: {  	v12 =	vmul.f32 v8, v5;
	v8 =	vld [tilespmem:s1+$0x0]  }
0x2b3: {  	v10 =	vmul.f32 v9, v5  }
0x2b4: {  	s23 =	simm.s32 $0x1;
	s24 =	smov.u32 s1;
	s22 =	smov.u32 s1;
	v9 =	vmul.f32 v13, v5;
	v11 =	vmul.f32 v11, v5  }
.LBB2_16:
0x2b5: {  	p0 =	sne.s32 s23, $0xF  }
0x2b6: {  	v7 =	vmul.f32 v7, v5;
	v6 =	vmul.f32 v6, v5;
	[tilespmem:s22+$0x30] =	vst v12;
	s24 =	sadd.s32 $0x80, s24;
	s28 =	smov.u32 s23;
	s23 =	sadd.s32 $0x1, s23  }
0x2b7: {  	[tilespmem:s22+$0xFFFFFFC0] =	vst v10;
	v10 =	vmul.f32 v4, v5;
	v5 =	vmul.f32 v8, v5  }
0x2b8: {  	s28 =	sadd.s32 s28, s0;
	[tilespmem:s22+$0x10] =	vst v11  }
0x2b9: {  	v8 =	vmov s28;
	[tilespmem:s22+$0xFFFFFFE0] =	vst v9  }
0x2ba: {  	v4 =	vld [tilespmem:s24+$0xFFFFFFF0];
	[tilespmem:s22+$0xFFFFFFF0] =	vst v10  }
0x2bb: {  	v9 =	vld [tilespmem:s24+$0x30];
	[tilespmem:s22+$0x0] =	vst v5  }
0x2bc: {  	v11 =	vld [tilespmem:s24+$0x10];
	[tilespmem:s22+$0x20] =	vst v6  }
0x2bd: {  	v10 =	vld [tilespmem:s24+$0xFFFFFFC0];
	[tilespmem:s22+$0xFFFFFFD0] =	vst v7;
	s22 =	smov.u32 s24  }
0x2be: {  	v5 =	vld.idx.msk [tilespmem:v8+s26+$0x0], $0xffff  }
0x2bf: {  	v13 =	vld [tilespmem:s24+$0xFFFFFFE0]  }
0x2c0: {  	v6 =	vld [tilespmem:s24+$0x20]  }
.Ltmp11:
0x2c1: {  	v7 =	vld [tilespmem:s24+$0xFFFFFFD0];
	(pc) =	sbr.rel @p0 .LBB2_16-.Ltmp11, $3  }
0x2c2: {  	v8 =	vld [tilespmem:s24+$0x0];
	_ =	sdelay $0x1  }
0x2c3: {  	v10 =	vmul.f32 v10, v5;
	v12 =	vmul.f32 v9, v5  }
0x2c4: {  	v11 =	vmul.f32 v11, v5;
	v9 =	vmul.f32 v13, v5  }
0x2c5: {  	[tilespmem:s22+$0x30] =	vst v12  }
0x2c6: {  	[tilespmem:s22+$0xFFFFFFC0] =	vst v10  }
0x2c7: {  	v4 =	vmul.f32 v4, v5;
	[tilespmem:s22+$0x10] =	vst v11  }
.Ltmp12:
0x2c8: {  	v6 =	vmul.f32 v6, v5;
	[tilespmem:s22+$0xFFFFFFE0] =	vst v9;
	(pc) =	sbr.rel .LBB2_18-.Ltmp12, $4  }
0x2c9: {  	v8 =	vmul.f32 v8, v5;
	[tilespmem:s22+$0xFFFFFFF0] =	vst v4  }
0x2ca: {  	v4 =	vmul.f32 v7, v5;
	[tilespmem:s22+$0x20] =	vst v6  }
0x2cb: {  	[tilespmem:s22+$0x0] =	vst v8  }
0x2cc: {  	[tilespmem:s22+$0xFFFFFFD0] =	vst v4  }
.LBB2_19:
.Ltmp13:
0x2cd: {  	(pc) =	sbr.rel .LBB2_20-.Ltmp13, $3  }
0x2ce: {  	_ =	sdelay $0x1  }
0x2cf: {  	[hbm4b:s9+s2] =	stream.linear.scatter [tilespmem:s17], [sflag:$0x3], $0x2800, $0x38;
	[tilespmem:$0x13FC0] =	vst v63  }
0x2d0: {  	s0 =	simm.s32 $0x5;
	s1 =	simm.s32 $0x50;
	s16 =	simm.s32 $0xC830  }
.LBB2_24:
0x2d1: {  	s0 =	sadd.s32 $0x1, s0  }
0x2d2: {  	p0 =	sne.s32 s0, $0xA  }
.Ltmp14:
0x2d3: {  	_ = 	snop;
	(pc) =	sbr.rel @!p0 .LBB2_25-.Ltmp14, $2  }
0x2d4: {  	_ =	sdelay $0x2  }
0x2d5: {  	s1 =	sadd.s32 $0x10, s1;
	s16 =	sadd.s32 $0x800, s16  }
.LBB2_20:
0x2d6: {  	s22 =	sshll.u32 s0, $0x4  }
0x2d7: {  	v4 =	vld [tilespmem:s22+$0x9E80];
	_ =	sdelay $0x4  }
0x2d8: {  	vm0 =	vlt.f32 v4, $1.000000000e+00  }
0x2d9: {  	v4 =	vsel vm0, $0x1, v3  }
0x2da: {  	v4 =	vor.u32 $0x80000000, v4  }
0x2db: {  	(xrf0) =	vmax.scan.msk.u32 $0xffff, v4;
	_ =	sdelay $0x5  }
0x2dc: {  	v4, _, _ =	vpop (xrf0)  }
0x2dd: {  	(v2sf) =	vpush v4, $0xF;
	_ =	sdelay $0xe  }
0x2de: {  	s28 =	spop (v2sf)  }
0x2df: {  	p0 =	slt.u32 s28, $0x80000001  }
.Ltmp15:
0x2e0: {  	_ = 	snop;
	(pc) =	sbr.rel @p0 .LBB2_24-.Ltmp15, $1  }
0x2e1: {  	_ =	sdelay $0x3  }
0x2e2: {  	s22 =	sadd.s32 $0x0, s1  }
0x2e3: {  	v4 =	vmov s22;
	_ =	sdelay $0x1  }
0x2e4: {  	v8 =	vld [tilespmem:s16+$0x0]  }
0x2e5: {  	v11 =	vld [tilespmem:s16+$0xFFFFFFE0]  }
0x2e6: {  	v9 =	vld [tilespmem:s16+$0xFFFFFF90]  }
0x2e7: {  	v4 =	vld.idx.msk [tilespmem:v4+s26+$0x0], $0xffff  }
0x2e8: {  	v13 =	vld [tilespmem:s16+$0xFFFFFFB0]  }
0x2e9: {  	v5 =	vld [tilespmem:s16+$0xFFFFFFF0]  }
0x2ea: {  	v6 =	vld [tilespmem:s16+$0xFFFFFFC0]  }
0x2eb: {  	v7 =	vld [tilespmem:s16+$0xFFFFFFA0]  }
0x2ec: {  	v12 =	vmul.f32 v8, v4;
	v8 =	vld [tilespmem:s16+$0xFFFFFFD0]  }
0x2ed: {  	v10 =	vmul.f32 v9, v4  }
0x2ee: {  	s23 =	simm.s32 $0x1;
	s24 =	smov.u32 s16;
	s22 =	smov.u32 s16;
	v9 =	vmul.f32 v13, v4;
	v11 =	vmul.f32 v11, v4  }
.LBB2_22:
0x2ef: {  	p0 =	sne.s32 s23, $0xF  }
0x2f0: {  	v7 =	vmul.f32 v7, v4;
	v13 =	vmul.f32 v5, v4;
	[tilespmem:s22+$0x0] =	vst v12;
	s24 =	sadd.s32 $0x80, s24;
	s28 =	smov.u32 s23;
	s23 =	sadd.s32 $0x1, s23  }
0x2f1: {  	v6 =	vmul.f32 v6, v4;
	[tilespmem:s22+$0xFFFFFF90] =	vst v10;
	v4 =	vmul.f32 v8, v4  }
0x2f2: {  	s28 =	sadd.s32 s28, s1;
	[tilespmem:s22+$0xFFFFFFE0] =	vst v11  }
0x2f3: {  	v8 =	vmov s28;
	[tilespmem:s22+$0xFFFFFFB0] =	vst v9  }
0x2f4: {  	v5 =	vld [tilespmem:s24+$0xFFFFFFF0];
	[tilespmem:s22+$0xFFFFFFC0] =	vst v6  }
0x2f5: {  	v9 =	vld [tilespmem:s24+$0x0];
	[tilespmem:s22+$0xFFFFFFD0] =	vst v4  }
0x2f6: {  	v6 =	vld [tilespmem:s24+$0xFFFFFFC0];
	[tilespmem:s22+$0xFFFFFFF0] =	vst v13  }
0x2f7: {  	v11 =	vld [tilespmem:s24+$0xFFFFFFE0];
	[tilespmem:s22+$0xFFFFFFA0] =	vst v7;
	s22 =	smov.u32 s24  }
0x2f8: {  	v4 =	vld.idx.msk [tilespmem:v8+s26+$0x0], $0xffff  }
0x2f9: {  	v10 =	vld [tilespmem:s24+$0xFFFFFF90]  }
0x2fa: {  	v13 =	vld [tilespmem:s24+$0xFFFFFFB0]  }
.Ltmp16:
0x2fb: {  	v7 =	vld [tilespmem:s24+$0xFFFFFFA0];
	(pc) =	sbr.rel @p0 .LBB2_22-.Ltmp16, $3  }
0x2fc: {  	v8 =	vld [tilespmem:s24+$0xFFFFFFD0];
	_ =	sdelay $0x1  }
0x2fd: {  	v12 =	vmul.f32 v9, v4;
	v10 =	vmul.f32 v10, v4  }
0x2fe: {  	v11 =	vmul.f32 v11, v4;
	v9 =	vmul.f32 v13, v4  }
0x2ff: {  	[tilespmem:s22+$0x0] =	vst v12  }
0x300: {  	[tilespmem:s22+$0xFFFFFF90] =	vst v10  }
0x301: {  	v6 =	vmul.f32 v6, v4;
	[tilespmem:s22+$0xFFFFFFE0] =	vst v11  }
.Ltmp17:
0x302: {  	v5 =	vmul.f32 v5, v4;
	[tilespmem:s22+$0xFFFFFFB0] =	vst v9;
	(pc) =	sbr.rel .LBB2_24-.Ltmp17, $4  }
0x303: {  	v8 =	vmul.f32 v8, v4;
	[tilespmem:s22+$0xFFFFFFC0] =	vst v6  }
0x304: {  	v4 =	vmul.f32 v7, v4;
	[tilespmem:s22+$0xFFFFFFF0] =	vst v5  }
0x305: {  	[tilespmem:s22+$0xFFFFFFD0] =	vst v8  }
0x306: {  	[tilespmem:s22+$0xFFFFFFA0] =	vst v4  }
.LBB2_25:
.Ltmp18:
0x307: {  	(pc) =	sbr.rel .LBB2_26-.Ltmp18, $4  }
0x308: {  	_ = 	snop  }
0x309: {  	s0 =	simm.s32 $0xC7C0  }
0x30a: {  	[hbm4b:s10+s2] =	stream.linear.scatter [tilespmem:s0], [sflag:$0x3], $0x2800, $0x38;
	[tilespmem:$0x13FC0] =	vst v63  }
0x30b: {  	s1 =	simm.s32 $0x9FC0;
	s24 =	simm.s32 $0xA0;
	s0 =	simm.s32 $0xA  }
.LBB2_30:
0x30c: {  	s0 =	sadd.s32 $0x1, s0  }
0x30d: {  	p0 =	sne.s32 s0, $0xF  }
.Ltmp19:
0x30e: {  	_ = 	snop;
	(pc) =	sbr.rel @!p0 .LBB2_31-.Ltmp19, $2  }
0x30f: {  	_ =	sdelay $0x2  }
0x310: {  	s1 =	sadd.s32 $0x800, s1;
	s24 =	sadd.s32 $0x10, s24  }
.LBB2_26:
0x311: {  	s16 =	sshll.u32 s0, $0x4  }
0x312: {  	v4 =	vld [tilespmem:s16+$0x9E80];
	_ =	sdelay $0x4  }
0x313: {  	vm0 =	vlt.f32 v4, $1.000000000e+00  }
0x314: {  	v4 =	vsel vm0, $0x1, v3  }
0x315: {  	v4 =	vor.u32 $0x80000000, v4  }
0x316: {  	(xrf0) =	vmax.scan.msk.u32 $0xffff, v4;
	_ =	sdelay $0x5  }
0x317: {  	v4, _, _ =	vpop (xrf0)  }
0x318: {  	(v2sf) =	vpush v4, $0xF;
	_ =	sdelay $0xe  }
0x319: {  	s28 =	spop (v2sf)  }
0x31a: {  	p0 =	slt.u32 s28, $0x80000001  }
.Ltmp20:
0x31b: {  	_ = 	snop;
	(pc) =	sbr.rel @p0 .LBB2_30-.Ltmp20, $1  }
0x31c: {  	_ =	sdelay $0x3  }
0x31d: {  	v4 =	vmov s24;
	s22 =	sadd.s32 $0x0, s1  }
0x31e: {  	v6 =	vld [tilespmem:s22+$0x5040]  }
0x31f: {  	v8 =	vld [tilespmem:s22+$0x5000]  }
0x320: {  	v7 =	vld [tilespmem:s22+$0x5020]  }
0x321: {  	v10 =	vld [tilespmem:s22+$0x5030]  }
0x322: {  	v4 =	vld.idx.msk [tilespmem:v4+s26+$0x0], $0xffff  }
0x323: {  	v5 =	vld [tilespmem:s22+$0x5060]  }
0x324: {  	s23 =	simm.s32 $0x200;
	s16 =	smov.u32 s24;
	v9 =	vld [tilespmem:s22+$0x5050]  }
.LBB2_28:
0x325: {  	p0 =	sne.s32 s23, $0x1E00  }
0x326: {  	v11 =	vld [tilespmem:s22+$0x5070];
	s16 =	sadd.s32 $0x1, s16;
	s28 =	smov.u32 s23;
	s23 =	sadd.s32 $0x200, s23  }
0x327: {  	v6 =	vmul.f32 v6, v4  }
0x328: {  	v8 =	vmul.f32 v8, v4;
	v12 =	vld [tilespmem:s22+$0x5010];
	v10 =	vmul.f32 v10, v4  }
0x329: {  	v13 =	vmov s16;
	v7 =	vmul.f32 v7, v4;
	[tilespmem:s22+$0x5040] =	vst v6;
	v5 =	vmul.f32 v5, v4  }
0x32a: {  	[tilespmem:s22+$0x5000] =	vst v8;
	v6 =	vmul.f32 v9, v4  }
0x32b: {  	[tilespmem:s22+$0x5030] =	vst v10;
	v8 =	vmul.f32 v11, v4  }
0x32c: {  	[tilespmem:s22+$0x5020] =	vst v7  }
0x32d: {  	s28 =	sshra.s32 s28, $0x2;
	v4 =	vmul.f32 v12, v4;
	[tilespmem:s22+$0x5070] =	vst v8  }
0x32e: {  	s28 =	sadd.s32 s28, s1;
	[tilespmem:s22+$0x5050] =	vst v6  }
0x32f: {  	v6 =	vld [tilespmem:s28+$0x5040];
	[tilespmem:s22+$0x5010] =	vst v4  }
0x330: {  	v8 =	vld [tilespmem:s28+$0x5000];
	[tilespmem:s22+$0x5060] =	vst v5;
	s22 =	smov.u32 s28  }
.Ltmp21:
0x331: {  	v4 =	vld.idx.msk [tilespmem:v13+s26+$0x0], $0xffff;
	(pc) =	sbr.rel @p0 .LBB2_28-.Ltmp21, $4  }
0x332: {  	v7 =	vld [tilespmem:s22+$0x5020]  }
0x333: {  	v10 =	vld [tilespmem:s22+$0x5030]  }
0x334: {  	v5 =	vld [tilespmem:s22+$0x5060]  }
0x335: {  	v9 =	vld [tilespmem:s22+$0x5050]  }
0x336: {  	v11 =	vld [tilespmem:s22+$0x5070];
	v6 =	vmul.f32 v6, v4  }
0x337: {  	v8 =	vmul.f32 v8, v4;
	v12 =	vld [tilespmem:s22+$0x5010]  }
0x338: {  	v60 =	vmul.f32 v7, v4;
	[tilespmem:s22+$0x5040] =	vst v6  }
0x339: {  	v10 =	vmul.f32 v10, v4;
	[tilespmem:s22+$0x5000] =	vst v8  }
0x33a: {  	[tilespmem:s22+$0x5020] =	vst v60;
	v62 =	vmul.f32 v9, v4  }
.Ltmp22:
0x33b: {  	[tilespmem:s22+$0x5030] =	vst v10;
	v61 =	vmul.f32 v11, v4;
	(pc) =	sbr.rel .LBB2_30-.Ltmp22, $4  }
0x33c: {  	v63 =	vmul.f32 v12, v4;
	[tilespmem:s22+$0x5050] =	vst v62  }
0x33d: {  	v4 =	vmul.f32 v5, v4;
	[tilespmem:s22+$0x5070] =	vst v61  }
0x33e: {  	[tilespmem:s22+$0x5010] =	vst v63  }
0x33f: {  	[tilespmem:s22+$0x5060] =	vst v4  }
.LBB2_31:
.Ltmp23:
0x340: {  	(pc) =	sbr.rel .LBB2_32-.Ltmp23, $3  }
0x341: {  	_ =	sdelay $0x1  }
0x342: {  	[hbm4b:s11+s2] =	stream.linear.scatter [tilespmem:s29], [sflag:$0x3], $0x2800, $0x38;
	[tilespmem:$0x13FC0] =	vst v63  }
0x343: {  	s0 =	simm.s32 $0xF;
	s1 =	simm.s32 $0x9FC0;
	s16 =	simm.s32 $0xF0  }
.LBB2_36:
0x344: {  	s0 =	sadd.s32 $0x1, s0  }
0x345: {  	p0 =	sne.s32 s0, $0x14  }
.Ltmp24:
0x346: {  	_ = 	snop;
	(pc) =	sbr.rel @!p0 .LBB2_37-.Ltmp24, $2  }
0x347: {  	_ =	sdelay $0x2  }
0x348: {  	s1 =	sadd.s32 $0x800, s1;
	s16 =	sadd.s32 $0x10, s16  }
.LBB2_32:
0x349: {  	s22 =	sshll.u32 s0, $0x4  }
0x34a: {  	v4 =	vld [tilespmem:s22+$0x9E80];
	_ =	sdelay $0x4  }
0x34b: {  	vm0 =	vlt.f32 v4, $1.000000000e+00  }
0x34c: {  	v4 =	vsel vm0, $0x1, v3  }
0x34d: {  	v4 =	vor.u32 $0x80000000, v4  }
0x34e: {  	(xrf0) =	vmax.scan.msk.u32 $0xffff, v4;
	_ =	sdelay $0x5  }
0x34f: {  	v4, _, _ =	vpop (xrf0)  }
0x350: {  	(v2sf) =	vpush v4, $0xF;
	_ =	sdelay $0xe  }
0x351: {  	s28 =	spop (v2sf)  }
0x352: {  	p0 =	slt.u32 s28, $0x80000001  }
.Ltmp25:
0x353: {  	_ = 	snop;
	(pc) =	sbr.rel @p0 .LBB2_36-.Ltmp25, $1  }
0x354: {  	_ =	sdelay $0x3  }
0x355: {  	v4 =	vmov s16;
	s22 =	sadd.s32 $0x0, s1  }
0x356: {  	v6 =	vld [tilespmem:s22+$0x7840]  }
0x357: {  	v8 =	vld [tilespmem:s22+$0x7800]  }
0x358: {  	v7 =	vld [tilespmem:s22+$0x7820]  }
0x359: {  	v10 =	vld [tilespmem:s22+$0x7830]  }
0x35a: {  	v4 =	vld.idx.msk [tilespmem:v4+s26+$0x0], $0xffff  }
0x35b: {  	v5 =	vld [tilespmem:s22+$0x7860]  }
0x35c: {  	s23 =	simm.s32 $0x200;
	s24 =	smov.u32 s16;
	v9 =	vld [tilespmem:s22+$0x7850]  }
.LBB2_34:
0x35d: {  	p0 =	sne.s32 s23, $0x1E00  }
0x35e: {  	v11 =	vld [tilespmem:s22+$0x7870];
	s24 =	sadd.s32 $0x1, s24;
	s28 =	smov.u32 s23;
	s23 =	sadd.s32 $0x200, s23  }
0x35f: {  	v6 =	vmul.f32 v6, v4  }
0x360: {  	v8 =	vmul.f32 v8, v4;
	v12 =	vld [tilespmem:s22+$0x7810];
	v10 =	vmul.f32 v10, v4  }
0x361: {  	v13 =	vmov s24;
	v7 =	vmul.f32 v7, v4;
	[tilespmem:s22+$0x7840] =	vst v6;
	v5 =	vmul.f32 v5, v4  }
0x362: {  	[tilespmem:s22+$0x7800] =	vst v8;
	v6 =	vmul.f32 v9, v4  }
0x363: {  	[tilespmem:s22+$0x7830] =	vst v10;
	v8 =	vmul.f32 v11, v4  }
0x364: {  	[tilespmem:s22+$0x7820] =	vst v7  }
0x365: {  	s28 =	sshra.s32 s28, $0x2;
	v4 =	vmul.f32 v12, v4;
	[tilespmem:s22+$0x7870] =	vst v8  }
0x366: {  	s28 =	sadd.s32 s28, s1;
	[tilespmem:s22+$0x7850] =	vst v6  }
0x367: {  	v6 =	vld [tilespmem:s28+$0x7840];
	[tilespmem:s22+$0x7810] =	vst v4  }
0x368: {  	v8 =	vld [tilespmem:s28+$0x7800];
	[tilespmem:s22+$0x7860] =	vst v5;
	s22 =	smov.u32 s28  }
.Ltmp26:
0x369: {  	v4 =	vld.idx.msk [tilespmem:v13+s26+$0x0], $0xffff;
	(pc) =	sbr.rel @p0 .LBB2_34-.Ltmp26, $4  }
0x36a: {  	v7 =	vld [tilespmem:s22+$0x7820]  }
0x36b: {  	v10 =	vld [tilespmem:s22+$0x7830]  }
0x36c: {  	v5 =	vld [tilespmem:s22+$0x7860]  }
0x36d: {  	v9 =	vld [tilespmem:s22+$0x7850]  }
0x36e: {  	v11 =	vld [tilespmem:s22+$0x7870];
	v6 =	vmul.f32 v6, v4  }
0x36f: {  	v8 =	vmul.f32 v8, v4;
	v12 =	vld [tilespmem:s22+$0x7810]  }
0x370: {  	v60 =	vmul.f32 v7, v4;
	[tilespmem:s22+$0x7840] =	vst v6  }
0x371: {  	v10 =	vmul.f32 v10, v4;
	[tilespmem:s22+$0x7800] =	vst v8  }
0x372: {  	[tilespmem:s22+$0x7820] =	vst v60;
	v62 =	vmul.f32 v9, v4  }
.Ltmp27:
0x373: {  	[tilespmem:s22+$0x7830] =	vst v10;
	v61 =	vmul.f32 v11, v4;
	(pc) =	sbr.rel .LBB2_36-.Ltmp27, $4  }
0x374: {  	v63 =	vmul.f32 v12, v4;
	[tilespmem:s22+$0x7850] =	vst v62  }
0x375: {  	v4 =	vmul.f32 v5, v4;
	[tilespmem:s22+$0x7870] =	vst v61  }
0x376: {  	[tilespmem:s22+$0x7810] =	vst v63  }
0x377: {  	[tilespmem:s22+$0x7860] =	vst v4  }
.LBB2_38:
0x378: {  	_ =	sfence.sel $0x180000  }
0x379: {  	[bflag:$0x0] =	sbarrier.arrive $0xFFFF  }
0x37a: {  	_ =	strace $0x90000047  }
0x37b: {  	s0 =	stileid.u32;
	[bflag:$0x2] =	sbarrier.arrive $0xFFFF  }
0x37c: {  	p0 =	sne.s32 s0, $0x0;
	s0 =	rddreg [dreg:$0x4]  }
0x37d: {  	s0 =	sadd.s32 @!p0 $0x100000, s0  }
0x37e: {  	[sflag:s0] =	ssyncadd.tile.s32 @!p0 $0x1;
	_ =	shalt  }
.Lfunc_end2:
_tile_overlayer_lowered:
.L_overlay_start_2:
0x37f: {  	(tag) =	ssettag $0x2  }
0x380: {  	s0 =	rddreg [dreg:$0x0];
	s2 =	stileid.u32  }
0x381: {  	s1 =	rddreg [dreg:$0x1];
	p0 =	sne.s32 s2, $0x0  }
0x382: {  	s3 =	rddreg [dreg:$0x2];
	[bflag:$0x3] =	sbarrier.arrive $0xFFFF;
	s2 =	simm.s32 @!p0 $0x1C04  }
0x383: {  	[timem:s3], [sflag:s2] =	dma.local @!p0 [hbm:s0], s1  }
0x384: {  	s0 =	simm.s32 @!p0 $0x4  }
0x385: {  	_ =	swait.ge @!p0 [sflag:s0], s1  }
0x386: {  	s1 =	ssub.s32 @!p0 $0x0, s1;
	[sflag:s0] =	ssyncset.done @!p0 $0x0  }
0x387: {  	[sflag:s0] =	ssyncadd.s32 @!p0 s1  }
0x388: {  	[bflag:$0x3] =	sbarrier.arrive $0xFFFF  }
0x389: {  	_ =	shalt  }

</sc_bundles>
